<compile_context>
chip_gen: v7x
topology: tpu7x:2x2x1
jax: 0.10.2.dev20260603
libtpu: 0.0.44.dev20260713+nightly
codegen_flags: <defaults>
</compile_context>

<pallas_src>
import functools

import jax
import jax.numpy as jnp
from jax import lax
from jax.experimental import pallas as pl
from jax.experimental.pallas import tpu as pltpu
from jax.experimental.pallas import tpu_sc as plsc

_D = 768
_E = 64
_K = 8
_T = 32768
_BLK = 4096
_NW = 32
_RPT = _T // _NW
_GRP = _RPT // 16


def _enc(v, lane):
    b = lax.bitcast_convert_type(v, jnp.int32)
    b = b ^ (lax.shift_right_arithmetic(b, 31) & jnp.int32(0x7FFFFFFF))
    return (b & jnp.int32(~63)) | (jnp.int32(63) - lane)


def _dec(m):
    b = m ^ (lax.shift_right_arithmetic(m, 31) & jnp.int32(0x7FFFFFFF))
    return lax.bitcast_convert_type(b, jnp.float32)


def _gate_body(x_ref, wt_ref, enc_ref):
    x = x_ref[...]
    wt = wt_ref[...]
    logits = jnp.dot(x, wt, preferred_element_type=jnp.float32)
    lt = logits.T
    lane = lax.broadcasted_iota(jnp.int32, lt.shape, 0)
    enc_ref[...] = _enc(lt, lane)


def _tc_gate(inp, wt):
    return pl.pallas_call(
        _gate_body,
        grid=(_T // _BLK,),
        in_specs=[
            pl.BlockSpec((_BLK, _D), lambda i: (i, 0)),
            pl.BlockSpec((_D, _E), lambda i: (0, 0)),
        ],
        out_specs=pl.BlockSpec((_E, _BLK), lambda i: (0, i)),
        out_shape=jax.ShapeDtypeStruct((_E, _T), jnp.int32),
        compiler_params=pltpu.CompilerParams(
            dimension_semantics=("arbitrary",),
        ),
    )(inp, wt)


def _sc_topk(enc_t):
    mesh = plsc.VectorSubcoreMesh(core_axis_name="c", subcore_axis_name="s")

    @functools.partial(
        pl.kernel,
        mesh=mesh,
        out_type=[
            jax.ShapeDtypeStruct((_K, _T), jnp.int32),
            jax.ShapeDtypeStruct((_K, _T), jnp.float32),
        ],
        scratch_types=[
            pltpu.VMEM((_E, _RPT), jnp.int32),
            pltpu.VMEM((_K, _RPT), jnp.int32),
            pltpu.VMEM((_K, _RPT), jnp.float32),
        ],
        compiler_params=pltpu.CompilerParams(needs_layout_passes=False),
    )
    def sc(enc_hbm, idx_hbm, scr_hbm, enc_v, idx_v, scr_v):
        wid = lax.axis_index("s") * 2 + lax.axis_index("c")
        base = wid * _RPT
        pltpu.sync_copy(enc_hbm.at[:, pl.ds(base, _RPT)], enc_v)
        neg = jnp.full((16,), -(2**31), jnp.int32)

        def group(g, carry):
            cols = pl.ds(g * 16, 16)
            t = [neg] * _K
            for j in range(_E):
                c = enc_v[j, cols]
                for i in range(_K):
                    hi = jnp.maximum(t[i], c)
                    c = jnp.minimum(t[i], c)
                    t[i] = hi
            vals = [_dec(tk) for tk in t]
            es = [jnp.exp(v - vals[0]) for v in vals]
            tot = es[0]
            for e in es[1:]:
                tot = tot + e
            for k in range(_K):
                idx_v[k, cols] = jnp.int32(63) - (t[k] & jnp.int32(63))
                scr_v[k, cols] = es[k] / tot
            return carry

        lax.fori_loop(0, _GRP, group, 0)
        pltpu.sync_copy(idx_v, idx_hbm.at[:, pl.ds(base, _RPT)])
        pltpu.sync_copy(scr_v, scr_hbm.at[:, pl.ds(base, _RPT)])

    return sc(enc_t)


def kernel(inp, W):
    enc_t = _tc_gate(inp, W.T)
    idx_t, scr_t = _sc_topk(enc_t)
    return (idx_t.T, scr_t.T)

# --- scband reference (transcript-rebuilt; emitter-appended) ---
"""Pipeline reference for scband-custom-naive-gate-balance-smo-e-11063835755040 (READ-ONLY COPY).

The authoritative reference and input builder live on the scoring server;
editing this copy changes nothing except your own understanding.
"""

import jax, jax.numpy as jnp
import numpy as np

D_MODEL = 768
TOT_EXPERT = 64  # num_expert * world_size = 64 * 1
TOP_K = 8
T = 32768  # batch 4 * seq_len 8192 tokens


def setup_inputs(seed: int = 0) -> dict:
    key = jax.random.key(seed)
    k1, k2 = jax.random.split(key)
    inp = jax.random.normal(k1, (T, D_MODEL), dtype=jnp.float32)
    # nn.Linear(d_model, tot_expert, bias=False) weight: [tot_expert, d_model]
    W = jax.random.normal(k2, (TOT_EXPERT, D_MODEL), dtype=jnp.float32) * 0.02
    return {"inp": inp, "W": W}


def reference(inp, W):
    # logits = self.gate(inp)
    logits = inp @ W.T
    # top_k over last dim (largest=True; order of sorted vs unsorted does not change math)
    top_k_logits, top_k_indices = jax.lax.top_k(logits, TOP_K)
    # router_probs = full(-inf); scatter top_k_logits back at top_k_indices
    router_probs = jnp.full_like(logits, -jnp.inf)
    rows = jnp.arange(logits.shape[0])[:, None]
    router_probs = router_probs.at[rows, top_k_indices].set(top_k_logits)
    router_probs = jax.nn.softmax(router_probs, axis=-1)
    # top_k_scores = gather(router_probs, -1, top_k_indices)
    top_k_scores = jnp.take_along_axis(router_probs, top_k_indices, axis=-1)
    return (top_k_indices, top_k_scores)

if __name__ == "__main__":
    import jax
    _d = setup_inputs()
    print(jax.jit(kernel)(*tuple(_d.values())))

</pallas_src>

<mosaic_0001>
#map = affine_map<(d0, d1) -> (0, 0)>
module attributes {stable_mosaic.version = 14 : i64} {
  func.func @sc(%arg0: i32, %arg1: i32, %arg2: memref<64x32768xi32, #tpu.memory_space<hbm>>, %arg3: memref<8x32768xi32, #tpu.memory_space<hbm>>, %arg4: memref<8x32768xf32, #tpu.memory_space<hbm>>, %arg5: memref<64x1024xi32, #tpu.memory_space<vmem>>, %arg6: memref<8x1024xi32, #tpu.memory_space<vmem>>, %arg7: memref<8x1024xf32, #tpu.memory_space<vmem>>) attributes {dimension_semantics = [#tpu.dimension_semantics<core_parallel>, #tpu.dimension_semantics<subcore_parallel>], iteration_bounds = array<i64: 2, 16>, scalar_prefetch = 0 : i64, scratch_operands = 3 : i64, tpu.core_type = #tpu.core_type<sc_vector_subcore>, window_params = [{transform_indices = #map}, {transform_indices = #map}, {transform_indices = #map}]} {
    %mul3A = arith.constant 2 : i32
    %mul3A_0 = arith.muli %arg1, %mul3A : i32
    %add3A = arith.addi %mul3A_0, %arg0 : i32
    %mul3A_1 = arith.constant 1024 : i32
    %mul3A_2 = arith.muli %add3A, %mul3A_1 : i32
    "tpu.region"() ({
      %run_scoped3A = tpu.sem_alloc : memref<!tpu.dma_semaphore, #tpu.memory_space<semaphore_mem>>
      %dma_start3A = arith.constant 0 : i32
      %dma_start3A_9 = tpu.memref_slice %arg2[%dma_start3A, %mul3A_2] : memref<64x32768xi32, #tpu.memory_space<hbm>> -> memref<64x1024xi32, #tpu.memory_space<hbm>>
      %dma_start3A_10 = arith.constant 0 : i32
      %dma_start3A_11 = tpu.memref_slice %arg2[%dma_start3A_10, %mul3A_2] : memref<64x32768xi32, #tpu.memory_space<hbm>> -> memref<64x1024xi32, #tpu.memory_space<hbm>>
      tpu.enqueue_dma source(%dma_start3A_11 : memref<64x1024xi32, #tpu.memory_space<hbm>>) target(%arg5 : memref<64x1024xi32, #tpu.memory_space<vmem>>) target_semaphore(%run_scoped3A : memref<!tpu.dma_semaphore, #tpu.memory_space<semaphore_mem>>)
      %dma_wait3A = arith.constant 0 : i32
      %dma_wait3A_12 = tpu.memref_slice %arg2[%dma_wait3A, %mul3A_2] : memref<64x32768xi32, #tpu.memory_space<hbm>> -> memref<64x1024xi32, #tpu.memory_space<hbm>>
      %dma_wait3A_13 = arith.constant 0 : i32
      %dma_wait3A_14 = tpu.memref_slice %arg2[%dma_wait3A_13, %mul3A_2] : memref<64x32768xi32, #tpu.memory_space<hbm>> -> memref<64x1024xi32, #tpu.memory_space<hbm>>
      tpu.wait_dma2 semaphore(%run_scoped3A : memref<!tpu.dma_semaphore, #tpu.memory_space<semaphore_mem>>) src(%dma_wait3A_14 : memref<64x1024xi32, #tpu.memory_space<hbm>>) dst(%arg5 : memref<64x1024xi32, #tpu.memory_space<vmem>>)
      tpu.yield
    }) : () -> ()
    %broadcast_in_dim3A = arith.constant -2147483648 : i32
    %broadcast_in_dim3A_3 = vector.broadcast %broadcast_in_dim3A : i32 to vector<16xi32>
    %scan3A = arith.constant 0 : i32
    %scan3A_4 = arith.constant 0 : i32
    %scan3A_5 = arith.constant 64 : i32
    %scan3A_6 = arith.addi %scan3A_4, %scan3A_5 : i32
    %scan3A_7 = arith.constant 1 : i32
    scf.for %scan3A_9 = %scan3A_4 to %scan3A_6 step %scan3A_7  : i32 {
      %mul3A_10 = arith.constant 16 : i32
      %mul3A_11 = arith.muli %scan3A_9, %mul3A_10 : i32
      %get3A = arith.constant 0 : i32
      %get3A_12 = arith.index_cast %get3A : i32 to index
      %get3A_13 = arith.index_cast %mul3A_11 : i32 to index
      %get3A_14 = tpu.vector_load %arg5[%get3A_12, %get3A_13] {strides = array<i32>} : memref<64x1024xi32, #tpu.memory_space<vmem>>, vector<16xi32>,
      %max3A = arith.maxsi %broadcast_in_dim3A_3, %get3A_14 : vector<16xi32>
      %min3A = arith.minsi %broadcast_in_dim3A_3, %get3A_14 : vector<16xi32>
      %max3A_15 = arith.maxsi %broadcast_in_dim3A_3, %min3A : vector<16xi32>
      %min3A_16 = arith.minsi %broadcast_in_dim3A_3, %min3A : vector<16xi32>
      %max3A_17 = arith.maxsi %broadcast_in_dim3A_3, %min3A_16 : vector<16xi32>
      %min3A_18 = arith.minsi %broadcast_in_dim3A_3, %min3A_16 : vector<16xi32>
      %max3A_19 = arith.maxsi %broadcast_in_dim3A_3, %min3A_18 : vector<16xi32>
      %min3A_20 = arith.minsi %broadcast_in_dim3A_3, %min3A_18 : vector<16xi32>
      %max3A_21 = arith.maxsi %broadcast_in_dim3A_3, %min3A_20 : vector<16xi32>
      %min3A_22 = arith.minsi %broadcast_in_dim3A_3, %min3A_20 : vector<16xi32>
      %max3A_23 = arith.maxsi %broadcast_in_dim3A_3, %min3A_22 : vector<16xi32>
      %min3A_24 = arith.minsi %broadcast_in_dim3A_3, %min3A_22 : vector<16xi32>
      %max3A_25 = arith.maxsi %broadcast_in_dim3A_3, %min3A_24 : vector<16xi32>
      %min3A_26 = arith.minsi %broadcast_in_dim3A_3, %min3A_24 : vector<16xi32>
      %max3A_27 = arith.maxsi %broadcast_in_dim3A_3, %min3A_26 : vector<16xi32>
      %min3A_28 = arith.minsi %broadcast_in_dim3A_3, %min3A_26 : vector<16xi32>
      %get3A_29 = arith.constant 1 : i32
      %get3A_30 = arith.index_cast %get3A_29 : i32 to index
      %get3A_31 = arith.index_cast %mul3A_11 : i32 to index
      %get3A_32 = tpu.vector_load %arg5[%get3A_30, %get3A_31] {strides = array<i32>} : memref<64x1024xi32, #tpu.memory_space<vmem>>, vector<16xi32>,
      %max3A_33 = arith.maxsi %max3A, %get3A_32 : vector<16xi32>
      %min3A_34 = arith.minsi %max3A, %get3A_32 : vector<16xi32>
      %max3A_35 = arith.maxsi %max3A_15, %min3A_34 : vector<16xi32>
      %min3A_36 = arith.minsi %max3A_15, %min3A_34 : vector<16xi32>
      %max3A_37 = arith.maxsi %max3A_17, %min3A_36 : vector<16xi32>
      %min3A_38 = arith.minsi %max3A_17, %min3A_36 : vector<16xi32>
      %max3A_39 = arith.maxsi %max3A_19, %min3A_38 : vector<16xi32>
      %min3A_40 = arith.minsi %max3A_19, %min3A_38 : vector<16xi32>
      %max3A_41 = arith.maxsi %max3A_21, %min3A_40 : vector<16xi32>
      %min3A_42 = arith.minsi %max3A_21, %min3A_40 : vector<16xi32>
      %max3A_43 = arith.maxsi %max3A_23, %min3A_42 : vector<16xi32>
      %min3A_44 = arith.minsi %max3A_23, %min3A_42 : vector<16xi32>
      %max3A_45 = arith.maxsi %max3A_25, %min3A_44 : vector<16xi32>
      %min3A_46 = arith.minsi %max3A_25, %min3A_44 : vector<16xi32>
      %max3A_47 = arith.maxsi %max3A_27, %min3A_46 : vector<16xi32>
      %min3A_48 = arith.minsi %max3A_27, %min3A_46 : vector<16xi32>
      %get3A_49 = arith.constant 2 : i32
      %get3A_50 = arith.index_cast %get3A_49 : i32 to index
      %get3A_51 = arith.index_cast %mul3A_11 : i32 to index
      %get3A_52 = tpu.vector_load %arg5[%get3A_50, %get3A_51] {strides = array<i32>} : memref<64x1024xi32, #tpu.memory_space<vmem>>, vector<16xi32>,
      %max3A_53 = arith.maxsi %max3A_33, %get3A_52 : vector<16xi32>
      %min3A_54 = arith.minsi %max3A_33, %get3A_52 : vector<16xi32>
      %max3A_55 = arith.maxsi %max3A_35, %min3A_54 : vector<16xi32>
      %min3A_56 = arith.minsi %max3A_35, %min3A_54 : vector<16xi32>
      %max3A_57 = arith.maxsi %max3A_37, %min3A_56 : vector<16xi32>
      %min3A_58 = arith.minsi %max3A_37, %min3A_56 : vector<16xi32>
      %max3A_59 = arith.maxsi %max3A_39, %min3A_58 : vector<16xi32>
      %min3A_60 = arith.minsi %max3A_39, %min3A_58 : vector<16xi32>
      %max3A_61 = arith.maxsi %max3A_41, %min3A_60 : vector<16xi32>
      %min3A_62 = arith.minsi %max3A_41, %min3A_60 : vector<16xi32>
      %max3A_63 = arith.maxsi %max3A_43, %min3A_62 : vector<16xi32>
      %min3A_64 = arith.minsi %max3A_43, %min3A_62 : vector<16xi32>
      %max3A_65 = arith.maxsi %max3A_45, %min3A_64 : vector<16xi32>
      %min3A_66 = arith.minsi %max3A_45, %min3A_64 : vector<16xi32>
      %max3A_67 = arith.maxsi %max3A_47, %min3A_66 : vector<16xi32>
      %min3A_68 = arith.minsi %max3A_47, %min3A_66 : vector<16xi32>
      %get3A_69 = arith.constant 3 : i32
      %get3A_70 = arith.index_cast %get3A_69 : i32 to index
      %get3A_71 = arith.index_cast %mul3A_11 : i32 to index
      %get3A_72 = tpu.vector_load %arg5[%get3A_70, %get3A_71] {strides = array<i32>} : memref<64x1024xi32, #tpu.memory_space<vmem>>, vector<16xi32>,
      %max3A_73 = arith.maxsi %max3A_53, %get3A_72 : vector<16xi32>
      %min3A_74 = arith.minsi %max3A_53, %get3A_72 : vector<16xi32>
      %max3A_75 = arith.maxsi %max3A_55, %min3A_74 : vector<16xi32>
      %min3A_76 = arith.minsi %max3A_55, %min3A_74 : vector<16xi32>
      %max3A_77 = arith.maxsi %max3A_57, %min3A_76 : vector<16xi32>
      %min3A_78 = arith.minsi %max3A_57, %min3A_76 : vector<16xi32>
      %max3A_79 = arith.maxsi %max3A_59, %min3A_78 : vector<16xi32>
      %min3A_80 = arith.minsi %max3A_59, %min3A_78 : vector<16xi32>
      %max3A_81 = arith.maxsi %max3A_61, %min3A_80 : vector<16xi32>
      %min3A_82 = arith.minsi %max3A_61, %min3A_80 : vector<16xi32>
      %max3A_83 = arith.maxsi %max3A_63, %min3A_82 : vector<16xi32>
      %min3A_84 = arith.minsi %max3A_63, %min3A_82 : vector<16xi32>
      %max3A_85 = arith.maxsi %max3A_65, %min3A_84 : vector<16xi32>
      %min3A_86 = arith.minsi %max3A_65, %min3A_84 : vector<16xi32>
      %max3A_87 = arith.maxsi %max3A_67, %min3A_86 : vector<16xi32>
      %min3A_88 = arith.minsi %max3A_67, %min3A_86 : vector<16xi32>
      %get3A_89 = arith.constant 4 : i32
      %get3A_90 = arith.index_cast %get3A_89 : i32 to index
      %get3A_91 = arith.index_cast %mul3A_11 : i32 to index
      %get3A_92 = tpu.vector_load %arg5[%get3A_90, %get3A_91] {strides = array<i32>} : memref<64x1024xi32, #tpu.memory_space<vmem>>, vector<16xi32>,
      %max3A_93 = arith.maxsi %max3A_73, %get3A_92 : vector<16xi32>
      %min3A_94 = arith.minsi %max3A_73, %get3A_92 : vector<16xi32>
      %max3A_95 = arith.maxsi %max3A_75, %min3A_94 : vector<16xi32>
      %min3A_96 = arith.minsi %max3A_75, %min3A_94 : vector<16xi32>
      %max3A_97 = arith.maxsi %max3A_77, %min3A_96 : vector<16xi32>
      %min3A_98 = arith.minsi %max3A_77, %min3A_96 : vector<16xi32>
      %max3A_99 = arith.maxsi %max3A_79, %min3A_98 : vector<16xi32>
      %min3A_100 = arith.minsi %max3A_79, %min3A_98 : vector<16xi32>
      %max3A_101 = arith.maxsi %max3A_81, %min3A_100 : vector<16xi32>
      %min3A_102 = arith.minsi %max3A_81, %min3A_100 : vector<16xi32>
      %max3A_103 = arith.maxsi %max3A_83, %min3A_102 : vector<16xi32>
      %min3A_104 = arith.minsi %max3A_83, %min3A_102 : vector<16xi32>
      %max3A_105 = arith.maxsi %max3A_85, %min3A_104 : vector<16xi32>
      %min3A_106 = arith.minsi %max3A_85, %min3A_104 : vector<16xi32>
      %max3A_107 = arith.maxsi %max3A_87, %min3A_106 : vector<16xi32>
      %min3A_108 = arith.minsi %max3A_87, %min3A_106 : vector<16xi32>
      %get3A_109 = arith.constant 5 : i32
      %get3A_110 = arith.index_cast %get3A_109 : i32 to index
      %get3A_111 = arith.index_cast %mul3A_11 : i32 to index
      %get3A_112 = tpu.vector_load %arg5[%get3A_110, %get3A_111] {strides = array<i32>} : memref<64x1024xi32, #tpu.memory_space<vmem>>, vector<16xi32>,
      %max3A_113 = arith.maxsi %max3A_93, %get3A_112 : vector<16xi32>
      %min3A_114 = arith.minsi %max3A_93, %get3A_112 : vector<16xi32>
      %max3A_115 = arith.maxsi %max3A_95, %min3A_114 : vector<16xi32>
      %min3A_116 = arith.minsi %max3A_95, %min3A_114 : vector<16xi32>
      %max3A_117 = arith.maxsi %max3A_97, %min3A_116 : vector<16xi32>
      %min3A_118 = arith.minsi %max3A_97, %min3A_116 : vector<16xi32>
      %max3A_119 = arith.maxsi %max3A_99, %min3A_118 : vector<16xi32>
      %min3A_120 = arith.minsi %max3A_99, %min3A_118 : vector<16xi32>
      %max3A_121 = arith.maxsi %max3A_101, %min3A_120 : vector<16xi32>
      %min3A_122 = arith.minsi %max3A_101, %min3A_120 : vector<16xi32>
      %max3A_123 = arith.maxsi %max3A_103, %min3A_122 : vector<16xi32>
      %min3A_124 = arith.minsi %max3A_103, %min3A_122 : vector<16xi32>
      %max3A_125 = arith.maxsi %max3A_105, %min3A_124 : vector<16xi32>
      %min3A_126 = arith.minsi %max3A_105, %min3A_124 : vector<16xi32>
      %max3A_127 = arith.maxsi %max3A_107, %min3A_126 : vector<16xi32>
      %min3A_128 = arith.minsi %max3A_107, %min3A_126 : vector<16xi32>
      %get3A_129 = arith.constant 6 : i32
      %get3A_130 = arith.index_cast %get3A_129 : i32 to index
      %get3A_131 = arith.index_cast %mul3A_11 : i32 to index
      %get3A_132 = tpu.vector_load %arg5[%get3A_130, %get3A_131] {strides = array<i32>} : memref<64x1024xi32, #tpu.memory_space<vmem>>, vector<16xi32>,
      %max3A_133 = arith.maxsi %max3A_113, %get3A_132 : vector<16xi32>
      %min3A_134 = arith.minsi %max3A_113, %get3A_132 : vector<16xi32>
      %max3A_135 = arith.maxsi %max3A_115, %min3A_134 : vector<16xi32>
      %min3A_136 = arith.minsi %max3A_115, %min3A_134 : vector<16xi32>
      %max3A_137 = arith.maxsi %max3A_117, %min3A_136 : vector<16xi32>
      %min3A_138 = arith.minsi %max3A_117, %min3A_136 : vector<16xi32>
      %max3A_139 = arith.maxsi %max3A_119, %min3A_138 : vector<16xi32>
      %min3A_140 = arith.minsi %max3A_119, %min3A_138 : vector<16xi32>
      %max3A_141 = arith.maxsi %max3A_121, %min3A_140 : vector<16xi32>
      %min3A_142 = arith.minsi %max3A_121, %min3A_140 : vector<16xi32>
      %max3A_143 = arith.maxsi %max3A_123, %min3A_142 : vector<16xi32>
      %min3A_144 = arith.minsi %max3A_123, %min3A_142 : vector<16xi32>
      %max3A_145 = arith.maxsi %max3A_125, %min3A_144 : vector<16xi32>
      %min3A_146 = arith.minsi %max3A_125, %min3A_144 : vector<16xi32>
      %max3A_147 = arith.maxsi %max3A_127, %min3A_146 : vector<16xi32>
      %min3A_148 = arith.minsi %max3A_127, %min3A_146 : vector<16xi32>
      %get3A_149 = arith.constant 7 : i32
      %get3A_150 = arith.index_cast %get3A_149 : i32 to index
      %get3A_151 = arith.index_cast %mul3A_11 : i32 to index
      %get3A_152 = tpu.vector_load %arg5[%get3A_150, %get3A_151] {strides = array<i32>} : memref<64x1024xi32, #tpu.memory_space<vmem>>, vector<16xi32>,
      %max3A_153 = arith.maxsi %max3A_133, %get3A_152 : vector<16xi32>
      %min3A_154 = arith.minsi %max3A_133, %get3A_152 : vector<16xi32>
      %max3A_155 = arith.maxsi %max3A_135, %min3A_154 : vector<16xi32>
      %min3A_156 = arith.minsi %max3A_135, %min3A_154 : vector<16xi32>
      %max3A_157 = arith.maxsi %max3A_137, %min3A_156 : vector<16xi32>
      %min3A_158 = arith.minsi %max3A_137, %min3A_156 : vector<16xi32>
      %max3A_159 = arith.maxsi %max3A_139, %min3A_158 : vector<16xi32>
      %min3A_160 = arith.minsi %max3A_139, %min3A_158 : vector<16xi32>
      %max3A_161 = arith.maxsi %max3A_141, %min3A_160 : vector<16xi32>
      %min3A_162 = arith.minsi %max3A_141, %min3A_160 : vector<16xi32>
      %max3A_163 = arith.maxsi %max3A_143, %min3A_162 : vector<16xi32>
      %min3A_164 = arith.minsi %max3A_143, %min3A_162 : vector<16xi32>
      %max3A_165 = arith.maxsi %max3A_145, %min3A_164 : vector<16xi32>
      %min3A_166 = arith.minsi %max3A_145, %min3A_164 : vector<16xi32>
      %max3A_167 = arith.maxsi %max3A_147, %min3A_166 : vector<16xi32>
      %min3A_168 = arith.minsi %max3A_147, %min3A_166 : vector<16xi32>
      %get3A_169 = arith.constant 8 : i32
      %get3A_170 = arith.index_cast %get3A_169 : i32 to index
      %get3A_171 = arith.index_cast %mul3A_11 : i32 to index
      %get3A_172 = tpu.vector_load %arg5[%get3A_170, %get3A_171] {strides = array<i32>} : memref<64x1024xi32, #tpu.memory_space<vmem>>, vector<16xi32>,
      %max3A_173 = arith.maxsi %max3A_153, %get3A_172 : vector<16xi32>
      %min3A_174 = arith.minsi %max3A_153, %get3A_172 : vector<16xi32>
      %max3A_175 = arith.maxsi %max3A_155, %min3A_174 : vector<16xi32>
      %min3A_176 = arith.minsi %max3A_155, %min3A_174 : vector<16xi32>
      %max3A_177 = arith.maxsi %max3A_157, %min3A_176 : vector<16xi32>
      %min3A_178 = arith.minsi %max3A_157, %min3A_176 : vector<16xi32>
      %max3A_179 = arith.maxsi %max3A_159, %min3A_178 : vector<16xi32>
      %min3A_180 = arith.minsi %max3A_159, %min3A_178 : vector<16xi32>
      %max3A_181 = arith.maxsi %max3A_161, %min3A_180 : vector<16xi32>
      %min3A_182 = arith.minsi %max3A_161, %min3A_180 : vector<16xi32>
      %max3A_183 = arith.maxsi %max3A_163, %min3A_182 : vector<16xi32>
      %min3A_184 = arith.minsi %max3A_163, %min3A_182 : vector<16xi32>
      %max3A_185 = arith.maxsi %max3A_165, %min3A_184 : vector<16xi32>
      %min3A_186 = arith.minsi %max3A_165, %min3A_184 : vector<16xi32>
      %max3A_187 = arith.maxsi %max3A_167, %min3A_186 : vector<16xi32>
      %min3A_188 = arith.minsi %max3A_167, %min3A_186 : vector<16xi32>
      %get3A_189 = arith.constant 9 : i32
      %get3A_190 = arith.index_cast %get3A_189 : i32 to index
      %get3A_191 = arith.index_cast %mul3A_11 : i32 to index
      %get3A_192 = tpu.vector_load %arg5[%get3A_190, %get3A_191] {strides = array<i32>} : memref<64x1024xi32, #tpu.memory_space<vmem>>, vector<16xi32>,
      %max3A_193 = arith.maxsi %max3A_173, %get3A_192 : vector<16xi32>
      %min3A_194 = arith.minsi %max3A_173, %get3A_192 : vector<16xi32>
      %max3A_195 = arith.maxsi %max3A_175, %min3A_194 : vector<16xi32>
      %min3A_196 = arith.minsi %max3A_175, %min3A_194 : vector<16xi32>
      %max3A_197 = arith.maxsi %max3A_177, %min3A_196 : vector<16xi32>
      %min3A_198 = arith.minsi %max3A_177, %min3A_196 : vector<16xi32>
      %max3A_199 = arith.maxsi %max3A_179, %min3A_198 : vector<16xi32>
      %min3A_200 = arith.minsi %max3A_179, %min3A_198 : vector<16xi32>
      %max3A_201 = arith.maxsi %max3A_181, %min3A_200 : vector<16xi32>
      %min3A_202 = arith.minsi %max3A_181, %min3A_200 : vector<16xi32>
      %max3A_203 = arith.maxsi %max3A_183, %min3A_202 : vector<16xi32>
      %min3A_204 = arith.minsi %max3A_183, %min3A_202 : vector<16xi32>
      %max3A_205 = arith.maxsi %max3A_185, %min3A_204 : vector<16xi32>
      %min3A_206 = arith.minsi %max3A_185, %min3A_204 : vector<16xi32>
      %max3A_207 = arith.maxsi %max3A_187, %min3A_206 : vector<16xi32>
      %min3A_208 = arith.minsi %max3A_187, %min3A_206 : vector<16xi32>
      %get3A_209 = arith.constant 10 : i32
      %get3A_210 = arith.index_cast %get3A_209 : i32 to index
      %get3A_211 = arith.index_cast %mul3A_11 : i32 to index
      %get3A_212 = tpu.vector_load %arg5[%get3A_210, %get3A_211] {strides = array<i32>} : memref<64x1024xi32, #tpu.memory_space<vmem>>, vector<16xi32>,
      %max3A_213 = arith.maxsi %max3A_193, %get3A_212 : vector<16xi32>
      %min3A_214 = arith.minsi %max3A_193, %get3A_212 : vector<16xi32>
      %max3A_215 = arith.maxsi %max3A_195, %min3A_214 : vector<16xi32>
      %min3A_216 = arith.minsi %max3A_195, %min3A_214 : vector<16xi32>
      %max3A_217 = arith.maxsi %max3A_197, %min3A_216 : vector<16xi32>
      %min3A_218 = arith.minsi %max3A_197, %min3A_216 : vector<16xi32>
      %max3A_219 = arith.maxsi %max3A_199, %min3A_218 : vector<16xi32>
      %min3A_220 = arith.minsi %max3A_199, %min3A_218 : vector<16xi32>
      %max3A_221 = arith.maxsi %max3A_201, %min3A_220 : vector<16xi32>
      %min3A_222 = arith.minsi %max3A_201, %min3A_220 : vector<16xi32>
      %max3A_223 = arith.maxsi %max3A_203, %min3A_222 : vector<16xi32>
      %min3A_224 = arith.minsi %max3A_203, %min3A_222 : vector<16xi32>
      %max3A_225 = arith.maxsi %max3A_205, %min3A_224 : vector<16xi32>
      %min3A_226 = arith.minsi %max3A_205, %min3A_224 : vector<16xi32>
      %max3A_227 = arith.maxsi %max3A_207, %min3A_226 : vector<16xi32>
      %min3A_228 = arith.minsi %max3A_207, %min3A_226 : vector<16xi32>
      %get3A_229 = arith.constant 11 : i32
      %get3A_230 = arith.index_cast %get3A_229 : i32 to index
      %get3A_231 = arith.index_cast %mul3A_11 : i32 to index
      %get3A_232 = tpu.vector_load %arg5[%get3A_230, %get3A_231] {strides = array<i32>} : memref<64x1024xi32, #tpu.memory_space<vmem>>, vector<16xi32>,
      %max3A_233 = arith.maxsi %max3A_213, %get3A_232 : vector<16xi32>
      %min3A_234 = arith.minsi %max3A_213, %get3A_232 : vector<16xi32>
      %max3A_235 = arith.maxsi %max3A_215, %min3A_234 : vector<16xi32>
      %min3A_236 = arith.minsi %max3A_215, %min3A_234 : vector<16xi32>
      %max3A_237 = arith.maxsi %max3A_217, %min3A_236 : vector<16xi32>
      %min3A_238 = arith.minsi %max3A_217, %min3A_236 : vector<16xi32>
      %max3A_239 = arith.maxsi %max3A_219, %min3A_238 : vector<16xi32>
      %min3A_240 = arith.minsi %max3A_219, %min3A_238 : vector<16xi32>
      %max3A_241 = arith.maxsi %max3A_221, %min3A_240 : vector<16xi32>
      %min3A_242 = arith.minsi %max3A_221, %min3A_240 : vector<16xi32>
      %max3A_243 = arith.maxsi %max3A_223, %min3A_242 : vector<16xi32>
      %min3A_244 = arith.minsi %max3A_223, %min3A_242 : vector<16xi32>
      %max3A_245 = arith.maxsi %max3A_225, %min3A_244 : vector<16xi32>
      %min3A_246 = arith.minsi %max3A_225, %min3A_244 : vector<16xi32>
      %max3A_247 = arith.maxsi %max3A_227, %min3A_246 : vector<16xi32>
      %min3A_248 = arith.minsi %max3A_227, %min3A_246 : vector<16xi32>
      %get3A_249 = arith.constant 12 : i32
      %get3A_250 = arith.index_cast %get3A_249 : i32 to index
      %get3A_251 = arith.index_cast %mul3A_11 : i32 to index
      %get3A_252 = tpu.vector_load %arg5[%get3A_250, %get3A_251] {strides = array<i32>} : memref<64x1024xi32, #tpu.memory_space<vmem>>, vector<16xi32>,
      %max3A_253 = arith.maxsi %max3A_233, %get3A_252 : vector<16xi32>
      %min3A_254 = arith.minsi %max3A_233, %get3A_252 : vector<16xi32>
      %max3A_255 = arith.maxsi %max3A_235, %min3A_254 : vector<16xi32>
      %min3A_256 = arith.minsi %max3A_235, %min3A_254 : vector<16xi32>
      %max3A_257 = arith.maxsi %max3A_237, %min3A_256 : vector<16xi32>
      %min3A_258 = arith.minsi %max3A_237, %min3A_256 : vector<16xi32>
      %max3A_259 = arith.maxsi %max3A_239, %min3A_258 : vector<16xi32>
      %min3A_260 = arith.minsi %max3A_239, %min3A_258 : vector<16xi32>
      %max3A_261 = arith.maxsi %max3A_241, %min3A_260 : vector<16xi32>
      %min3A_262 = arith.minsi %max3A_241, %min3A_260 : vector<16xi32>
      %max3A_263 = arith.maxsi %max3A_243, %min3A_262 : vector<16xi32>
      %min3A_264 = arith.minsi %max3A_243, %min3A_262 : vector<16xi32>
      %max3A_265 = arith.maxsi %max3A_245, %min3A_264 : vector<16xi32>
      %min3A_266 = arith.minsi %max3A_245, %min3A_264 : vector<16xi32>
      %max3A_267 = arith.maxsi %max3A_247, %min3A_266 : vector<16xi32>
      %min3A_268 = arith.minsi %max3A_247, %min3A_266 : vector<16xi32>
      %get3A_269 = arith.constant 13 : i32
      %get3A_270 = arith.index_cast %get3A_269 : i32 to index
      %get3A_271 = arith.index_cast %mul3A_11 : i32 to index
      %get3A_272 = tpu.vector_load %arg5[%get3A_270, %get3A_271] {strides = array<i32>} : memref<64x1024xi32, #tpu.memory_space<vmem>>, vector<16xi32>,
      %max3A_273 = arith.maxsi %max3A_253, %get3A_272 : vector<16xi32>
      %min3A_274 = arith.minsi %max3A_253, %get3A_272 : vector<16xi32>
      %max3A_275 = arith.maxsi %max3A_255, %min3A_274 : vector<16xi32>
      %min3A_276 = arith.minsi %max3A_255, %min3A_274 : vector<16xi32>
      %max3A_277 = arith.maxsi %max3A_257, %min3A_276 : vector<16xi32>
      %min3A_278 = arith.minsi %max3A_257, %min3A_276 : vector<16xi32>
      %max3A_279 = arith.maxsi %max3A_259, %min3A_278 : vector<16xi32>
      %min3A_280 = arith.minsi %max3A_259, %min3A_278 : vector<16xi32>
      %max3A_281 = arith.maxsi %max3A_261, %min3A_280 : vector<16xi32>
      %min3A_282 = arith.minsi %max3A_261, %min3A_280 : vector<16xi32>
      %max3A_283 = arith.maxsi %max3A_263, %min3A_282 : vector<16xi32>
      %min3A_284 = arith.minsi %max3A_263, %min3A_282 : vector<16xi32>
      %max3A_285 = arith.maxsi %max3A_265, %min3A_284 : vector<16xi32>
      %min3A_286 = arith.minsi %max3A_265, %min3A_284 : vector<16xi32>
      %max3A_287 = arith.maxsi %max3A_267, %min3A_286 : vector<16xi32>
      %min3A_288 = arith.minsi %max3A_267, %min3A_286 : vector<16xi32>
      %get3A_289 = arith.constant 14 : i32
      %get3A_290 = arith.index_cast %get3A_289 : i32 to index
      %get3A_291 = arith.index_cast %mul3A_11 : i32 to index
      %get3A_292 = tpu.vector_load %arg5[%get3A_290, %get3A_291] {strides = array<i32>} : memref<64x1024xi32, #tpu.memory_space<vmem>>, vector<16xi32>,
      %max3A_293 = arith.maxsi %max3A_273, %get3A_292 : vector<16xi32>
      %min3A_294 = arith.minsi %max3A_273, %get3A_292 : vector<16xi32>
      %max3A_295 = arith.maxsi %max3A_275, %min3A_294 : vector<16xi32>
      %min3A_296 = arith.minsi %max3A_275, %min3A_294 : vector<16xi32>
      %max3A_297 = arith.maxsi %max3A_277, %min3A_296 : vector<16xi32>
      %min3A_298 = arith.minsi %max3A_277, %min3A_296 : vector<16xi32>
      %max3A_299 = arith.maxsi %max3A_279, %min3A_298 : vector<16xi32>
      %min3A_300 = arith.minsi %max3A_279, %min3A_298 : vector<16xi32>
      %max3A_301 = arith.maxsi %max3A_281, %min3A_300 : vector<16xi32>
      %min3A_302 = arith.minsi %max3A_281, %min3A_300 : vector<16xi32>
      %max3A_303 = arith.maxsi %max3A_283, %min3A_302 : vector<16xi32>
      %min3A_304 = arith.minsi %max3A_283, %min3A_302 : vector<16xi32>
      %max3A_305 = arith.maxsi %max3A_285, %min3A_304 : vector<16xi32>
      %min3A_306 = arith.minsi %max3A_285, %min3A_304 : vector<16xi32>
      %max3A_307 = arith.maxsi %max3A_287, %min3A_306 : vector<16xi32>
      %min3A_308 = arith.minsi %max3A_287, %min3A_306 : vector<16xi32>
      %get3A_309 = arith.constant 15 : i32
      %get3A_310 = arith.index_cast %get3A_309 : i32 to index
      %get3A_311 = arith.index_cast %mul3A_11 : i32 to index
      %get3A_312 = tpu.vector_load %arg5[%get3A_310, %get3A_311] {strides = array<i32>} : memref<64x1024xi32, #tpu.memory_space<vmem>>, vector<16xi32>,
      %max3A_313 = arith.maxsi %max3A_293, %get3A_312 : vector<16xi32>
      %min3A_314 = arith.minsi %max3A_293, %get3A_312 : vector<16xi32>
      %max3A_315 = arith.maxsi %max3A_295, %min3A_314 : vector<16xi32>
      %min3A_316 = arith.minsi %max3A_295, %min3A_314 : vector<16xi32>
      %max3A_317 = arith.maxsi %max3A_297, %min3A_316 : vector<16xi32>
      %min3A_318 = arith.minsi %max3A_297, %min3A_316 : vector<16xi32>
      %max3A_319 = arith.maxsi %max3A_299, %min3A_318 : vector<16xi32>
      %min3A_320 = arith.minsi %max3A_299, %min3A_318 : vector<16xi32>
      %max3A_321 = arith.maxsi %max3A_301, %min3A_320 : vector<16xi32>
      %min3A_322 = arith.minsi %max3A_301, %min3A_320 : vector<16xi32>
      %max3A_323 = arith.maxsi %max3A_303, %min3A_322 : vector<16xi32>
      %min3A_324 = arith.minsi %max3A_303, %min3A_322 : vector<16xi32>
      %max3A_325 = arith.maxsi %max3A_305, %min3A_324 : vector<16xi32>
      %min3A_326 = arith.minsi %max3A_305, %min3A_324 : vector<16xi32>
      %max3A_327 = arith.maxsi %max3A_307, %min3A_326 : vector<16xi32>
      %min3A_328 = arith.minsi %max3A_307, %min3A_326 : vector<16xi32>
      %get3A_329 = arith.constant 16 : i32
      %get3A_330 = arith.index_cast %get3A_329 : i32 to index
      %get3A_331 = arith.index_cast %mul3A_11 : i32 to index
      %get3A_332 = tpu.vector_load %arg5[%get3A_330, %get3A_331] {strides = array<i32>} : memref<64x1024xi32, #tpu.memory_space<vmem>>, vector<16xi32>,
      %max3A_333 = arith.maxsi %max3A_313, %get3A_332 : vector<16xi32>
      %min3A_334 = arith.minsi %max3A_313, %get3A_332 : vector<16xi32>
      %max3A_335 = arith.maxsi %max3A_315, %min3A_334 : vector<16xi32>
      %min3A_336 = arith.minsi %max3A_315, %min3A_334 : vector<16xi32>
      %max3A_337 = arith.maxsi %max3A_317, %min3A_336 : vector<16xi32>
      %min3A_338 = arith.minsi %max3A_317, %min3A_336 : vector<16xi32>
      %max3A_339 = arith.maxsi %max3A_319, %min3A_338 : vector<16xi32>
      %min3A_340 = arith.minsi %max3A_319, %min3A_338 : vector<16xi32>
      %max3A_341 = arith.maxsi %max3A_321, %min3A_340 : vector<16xi32>
      %min3A_342 = arith.minsi %max3A_321, %min3A_340 : vector<16xi32>
      %max3A_343 = arith.maxsi %max3A_323, %min3A_342 : vector<16xi32>
      %min3A_344 = arith.minsi %max3A_323, %min3A_342 : vector<16xi32>
      %max3A_345 = arith.maxsi %max3A_325, %min3A_344 : vector<16xi32>
      %min3A_346 = arith.minsi %max3A_325, %min3A_344 : vector<16xi32>
      %max3A_347 = arith.maxsi %max3A_327, %min3A_346 : vector<16xi32>
      %min3A_348 = arith.minsi %max3A_327, %min3A_346 : vector<16xi32>
      %get3A_349 = arith.constant 17 : i32
      %get3A_350 = arith.index_cast %get3A_349 : i32 to index
      %get3A_351 = arith.index_cast %mul3A_11 : i32 to index
      %get3A_352 = tpu.vector_load %arg5[%get3A_350, %get3A_351] {strides = array<i32>} : memref<64x1024xi32, #tpu.memory_space<vmem>>, vector<16xi32>,
      %max3A_353 = arith.maxsi %max3A_333, %get3A_352 : vector<16xi32>
      %min3A_354 = arith.minsi %max3A_333, %get3A_352 : vector<16xi32>
      %max3A_355 = arith.maxsi %max3A_335, %min3A_354 : vector<16xi32>
      %min3A_356 = arith.minsi %max3A_335, %min3A_354 : vector<16xi32>
      %max3A_357 = arith.maxsi %max3A_337, %min3A_356 : vector<16xi32>
      %min3A_358 = arith.minsi %max3A_337, %min3A_356 : vector<16xi32>
      %max3A_359 = arith.maxsi %max3A_339, %min3A_358 : vector<16xi32>
      %min3A_360 = arith.minsi %max3A_339, %min3A_358 : vector<16xi32>
      %max3A_361 = arith.maxsi %max3A_341, %min3A_360 : vector<16xi32>
      %min3A_362 = arith.minsi %max3A_341, %min3A_360 : vector<16xi32>
      %max3A_363 = arith.maxsi %max3A_343, %min3A_362 : vector<16xi32>
      %min3A_364 = arith.minsi %max3A_343, %min3A_362 : vector<16xi32>
      %max3A_365 = arith.maxsi %max3A_345, %min3A_364 : vector<16xi32>
      %min3A_366 = arith.minsi %max3A_345, %min3A_364 : vector<16xi32>
      %max3A_367 = arith.maxsi %max3A_347, %min3A_366 : vector<16xi32>
      %min3A_368 = arith.minsi %max3A_347, %min3A_366 : vector<16xi32>
      %get3A_369 = arith.constant 18 : i32
      %get3A_370 = arith.index_cast %get3A_369 : i32 to index
      %get3A_371 = arith.index_cast %mul3A_11 : i32 to index
      %get3A_372 = tpu.vector_load %arg5[%get3A_370, %get3A_371] {strides = array<i32>} : memref<64x1024xi32, #tpu.memory_space<vmem>>, vector<16xi32>,
      %max3A_373 = arith.maxsi %max3A_353, %get3A_372 : vector<16xi32>
      %min3A_374 = arith.minsi %max3A_353, %get3A_372 : vector<16xi32>
      %max3A_375 = arith.maxsi %max3A_355, %min3A_374 : vector<16xi32>
      %min3A_376 = arith.minsi %max3A_355, %min3A_374 : vector<16xi32>
      %max3A_377 = arith.maxsi %max3A_357, %min3A_376 : vector<16xi32>
      %min3A_378 = arith.minsi %max3A_357, %min3A_376 : vector<16xi32>
      %max3A_379 = arith.maxsi %max3A_359, %min3A_378 : vector<16xi32>
      %min3A_380 = arith.minsi %max3A_359, %min3A_378 : vector<16xi32>
      %max3A_381 = arith.maxsi %max3A_361, %min3A_380 : vector<16xi32>
      %min3A_382 = arith.minsi %max3A_361, %min3A_380 : vector<16xi32>
      %max3A_383 = arith.maxsi %max3A_363, %min3A_382 : vector<16xi32>
      %min3A_384 = arith.minsi %max3A_363, %min3A_382 : vector<16xi32>
      %max3A_385 = arith.maxsi %max3A_365, %min3A_384 : vector<16xi32>
      %min3A_386 = arith.minsi %max3A_365, %min3A_384 : vector<16xi32>
      %max3A_387 = arith.maxsi %max3A_367, %min3A_386 : vector<16xi32>
      %min3A_388 = arith.minsi %max3A_367, %min3A_386 : vector<16xi32>
      %get3A_389 = arith.constant 19 : i32
      %get3A_390 = arith.index_cast %get3A_389 : i32 to index
      %get3A_391 = arith.index_cast %mul3A_11 : i32 to index
      %get3A_392 = tpu.vector_load %arg5[%get3A_390, %get3A_391] {strides = array<i32>} : memref<64x1024xi32, #tpu.memory_space<vmem>>, vector<16xi32>,
      %max3A_393 = arith.maxsi %max3A_373, %get3A_392 : vector<16xi32>
      %min3A_394 = arith.minsi %max3A_373, %get3A_392 : vector<16xi32>
      %max3A_395 = arith.maxsi %max3A_375, %min3A_394 : vector<16xi32>
      %min3A_396 = arith.minsi %max3A_375, %min3A_394 : vector<16xi32>
      %max3A_397 = arith.maxsi %max3A_377, %min3A_396 : vector<16xi32>
      %min3A_398 = arith.minsi %max3A_377, %min3A_396 : vector<16xi32>
      %max3A_399 = arith.maxsi %max3A_379, %min3A_398 : vector<16xi32>
      %min3A_400 = arith.minsi %max3A_379, %min3A_398 : vector<16xi32>
      %max3A_401 = arith.maxsi %max3A_381, %min3A_400 : vector<16xi32>
      %min3A_402 = arith.minsi %max3A_381, %min3A_400 : vector<16xi32>
      %max3A_403 = arith.maxsi %max3A_383, %min3A_402 : vector<16xi32>
      %min3A_404 = arith.minsi %max3A_383, %min3A_402 : vector<16xi32>
      %max3A_405 = arith.maxsi %max3A_385, %min3A_404 : vector<16xi32>
      %min3A_406 = arith.minsi %max3A_385, %min3A_404 : vector<16xi32>
      %max3A_407 = arith.maxsi %max3A_387, %min3A_406 : vector<16xi32>
      %min3A_408 = arith.minsi %max3A_387, %min3A_406 : vector<16xi32>
      %get3A_409 = arith.constant 20 : i32
      %get3A_410 = arith.index_cast %get3A_409 : i32 to index
      %get3A_411 = arith.index_cast %mul3A_11 : i32 to index
      %get3A_412 = tpu.vector_load %arg5[%get3A_410, %get3A_411] {strides = array<i32>} : memref<64x1024xi32, #tpu.memory_space<vmem>>, vector<16xi32>,
      %max3A_413 = arith.maxsi %max3A_393, %get3A_412 : vector<16xi32>
      %min3A_414 = arith.minsi %max3A_393, %get3A_412 : vector<16xi32>
      %max3A_415 = arith.maxsi %max3A_395, %min3A_414 : vector<16xi32>
      %min3A_416 = arith.minsi %max3A_395, %min3A_414 : vector<16xi32>
      %max3A_417 = arith.maxsi %max3A_397, %min3A_416 : vector<16xi32>
      %min3A_418 = arith.minsi %max3A_397, %min3A_416 : vector<16xi32>
      %max3A_419 = arith.maxsi %max3A_399, %min3A_418 : vector<16xi32>
      %min3A_420 = arith.minsi %max3A_399, %min3A_418 : vector<16xi32>
      %max3A_421 = arith.maxsi %max3A_401, %min3A_420 : vector<16xi32>
      %min3A_422 = arith.minsi %max3A_401, %min3A_420 : vector<16xi32>
      %max3A_423 = arith.maxsi %max3A_403, %min3A_422 : vector<16xi32>
      %min3A_424 = arith.minsi %max3A_403, %min3A_422 : vector<16xi32>
      %max3A_425 = arith.maxsi %max3A_405, %min3A_424 : vector<16xi32>
      %min3A_426 = arith.minsi %max3A_405, %min3A_424 : vector<16xi32>
      %max3A_427 = arith.maxsi %max3A_407, %min3A_426 : vector<16xi32>
      %min3A_428 = arith.minsi %max3A_407, %min3A_426 : vector<16xi32>
      %get3A_429 = arith.constant 21 : i32
      %get3A_430 = arith.index_cast %get3A_429 : i32 to index
      %get3A_431 = arith.index_cast %mul3A_11 : i32 to index
      %get3A_432 = tpu.vector_load %arg5[%get3A_430, %get3A_431] {strides = array<i32>} : memref<64x1024xi32, #tpu.memory_space<vmem>>, vector<16xi32>,
      %max3A_433 = arith.maxsi %max3A_413, %get3A_432 : vector<16xi32>
      %min3A_434 = arith.minsi %max3A_413, %get3A_432 : vector<16xi32>
      %max3A_435 = arith.maxsi %max3A_415, %min3A_434 : vector<16xi32>
      %min3A_436 = arith.minsi %max3A_415, %min3A_434 : vector<16xi32>
      %max3A_437 = arith.maxsi %max3A_417, %min3A_436 : vector<16xi32>
      %min3A_438 = arith.minsi %max3A_417, %min3A_436 : vector<16xi32>
      %max3A_439 = arith.maxsi %max3A_419, %min3A_438 : vector<16xi32>
      %min3A_440 = arith.minsi %max3A_419, %min3A_438 : vector<16xi32>
      %max3A_441 = arith.maxsi %max3A_421, %min3A_440 : vector<16xi32>
      %min3A_442 = arith.minsi %max3A_421, %min3A_440 : vector<16xi32>
      %max3A_443 = arith.maxsi %max3A_423, %min3A_442 : vector<16xi32>
      %min3A_444 = arith.minsi %max3A_423, %min3A_442 : vector<16xi32>
      %max3A_445 = arith.maxsi %max3A_425, %min3A_444 : vector<16xi32>
      %min3A_446 = arith.minsi %max3A_425, %min3A_444 : vector<16xi32>
      %max3A_447 = arith.maxsi %max3A_427, %min3A_446 : vector<16xi32>
      %min3A_448 = arith.minsi %max3A_427, %min3A_446 : vector<16xi32>
      %get3A_449 = arith.constant 22 : i32
      %get3A_450 = arith.index_cast %get3A_449 : i32 to index
      %get3A_451 = arith.index_cast %mul3A_11 : i32 to index
      %get3A_452 = tpu.vector_load %arg5[%get3A_450, %get3A_451] {strides = array<i32>} : memref<64x1024xi32, #tpu.memory_space<vmem>>, vector<16xi32>,
      %max3A_453 = arith.maxsi %max3A_433, %get3A_452 : vector<16xi32>
      %min3A_454 = arith.minsi %max3A_433, %get3A_452 : vector<16xi32>
      %max3A_455 = arith.maxsi %max3A_435, %min3A_454 : vector<16xi32>
      %min3A_456 = arith.minsi %max3A_435, %min3A_454 : vector<16xi32>
      %max3A_457 = arith.maxsi %max3A_437, %min3A_456 : vector<16xi32>
      %min3A_458 = arith.minsi %max3A_437, %min3A_456 : vector<16xi32>
      %max3A_459 = arith.maxsi %max3A_439, %min3A_458 : vector<16xi32>
      %min3A_460 = arith.minsi %max3A_439, %min3A_458 : vector<16xi32>
      %max3A_461 = arith.maxsi %max3A_441, %min3A_460 : vector<16xi32>
      %min3A_462 = arith.minsi %max3A_441, %min3A_460 : vector<16xi32>
      %max3A_463 = arith.maxsi %max3A_443, %min3A_462 : vector<16xi32>
      %min3A_464 = arith.minsi %max3A_443, %min3A_462 : vector<16xi32>
      %max3A_465 = arith.maxsi %max3A_445, %min3A_464 : vector<16xi32>
      %min3A_466 = arith.minsi %max3A_445, %min3A_464 : vector<16xi32>
      %max3A_467 = arith.maxsi %max3A_447, %min3A_466 : vector<16xi32>
      %min3A_468 = arith.minsi %max3A_447, %min3A_466 : vector<16xi32>
      %get3A_469 = arith.constant 23 : i32
      %get3A_470 = arith.index_cast %get3A_469 : i32 to index
      %get3A_471 = arith.index_cast %mul3A_11 : i32 to index
      %get3A_472 = tpu.vector_load %arg5[%get3A_470, %get3A_471] {strides = array<i32>} : memref<64x1024xi32, #tpu.memory_space<vmem>>, vector<16xi32>,
      %max3A_473 = arith.maxsi %max3A_453, %get3A_472 : vector<16xi32>
      %min3A_474 = arith.minsi %max3A_453, %get3A_472 : vector<16xi32>
      %max3A_475 = arith.maxsi %max3A_455, %min3A_474 : vector<16xi32>
      %min3A_476 = arith.minsi %max3A_455, %min3A_474 : vector<16xi32>
      %max3A_477 = arith.maxsi %max3A_457, %min3A_476 : vector<16xi32>
      %min3A_478 = arith.minsi %max3A_457, %min3A_476 : vector<16xi32>
      %max3A_479 = arith.maxsi %max3A_459, %min3A_478 : vector<16xi32>
      %min3A_480 = arith.minsi %max3A_459, %min3A_478 : vector<16xi32>
      %max3A_481 = arith.maxsi %max3A_461, %min3A_480 : vector<16xi32>
      %min3A_482 = arith.minsi %max3A_461, %min3A_480 : vector<16xi32>
      %max3A_483 = arith.maxsi %max3A_463, %min3A_482 : vector<16xi32>
      %min3A_484 = arith.minsi %max3A_463, %min3A_482 : vector<16xi32>
      %max3A_485 = arith.maxsi %max3A_465, %min3A_484 : vector<16xi32>
      %min3A_486 = arith.minsi %max3A_465, %min3A_484 : vector<16xi32>
      %max3A_487 = arith.maxsi %max3A_467, %min3A_486 : vector<16xi32>
      %min3A_488 = arith.minsi %max3A_467, %min3A_486 : vector<16xi32>
      %get3A_489 = arith.constant 24 : i32
      %get3A_490 = arith.index_cast %get3A_489 : i32 to index
      %get3A_491 = arith.index_cast %mul3A_11 : i32 to index
      %get3A_492 = tpu.vector_load %arg5[%get3A_490, %get3A_491] {strides = array<i32>} : memref<64x1024xi32, #tpu.memory_space<vmem>>, vector<16xi32>,
      %max3A_493 = arith.maxsi %max3A_473, %get3A_492 : vector<16xi32>
      %min3A_494 = arith.minsi %max3A_473, %get3A_492 : vector<16xi32>
      %max3A_495 = arith.maxsi %max3A_475, %min3A_494 : vector<16xi32>
      %min3A_496 = arith.minsi %max3A_475, %min3A_494 : vector<16xi32>
      %max3A_497 = arith.maxsi %max3A_477, %min3A_496 : vector<16xi32>
      %min3A_498 = arith.minsi %max3A_477, %min3A_496 : vector<16xi32>
      %max3A_499 = arith.maxsi %max3A_479, %min3A_498 : vector<16xi32>
      %min3A_500 = arith.minsi %max3A_479, %min3A_498 : vector<16xi32>
      %max3A_501 = arith.maxsi %max3A_481, %min3A_500 : vector<16xi32>
      %min3A_502 = arith.minsi %max3A_481, %min3A_500 : vector<16xi32>
      %max3A_503 = arith.maxsi %max3A_483, %min3A_502 : vector<16xi32>
      %min3A_504 = arith.minsi %max3A_483, %min3A_502 : vector<16xi32>
      %max3A_505 = arith.maxsi %max3A_485, %min3A_504 : vector<16xi32>
      %min3A_506 = arith.minsi %max3A_485, %min3A_504 : vector<16xi32>
      %max3A_507 = arith.maxsi %max3A_487, %min3A_506 : vector<16xi32>
      %min3A_508 = arith.minsi %max3A_487, %min3A_506 : vector<16xi32>
      %get3A_509 = arith.constant 25 : i32
      %get3A_510 = arith.index_cast %get3A_509 : i32 to index
      %get3A_511 = arith.index_cast %mul3A_11 : i32 to index
      %get3A_512 = tpu.vector_load %arg5[%get3A_510, %get3A_511] {strides = array<i32>} : memref<64x1024xi32, #tpu.memory_space<vmem>>, vector<16xi32>,
      %max3A_513 = arith.maxsi %max3A_493, %get3A_512 : vector<16xi32>
      %min3A_514 = arith.minsi %max3A_493, %get3A_512 : vector<16xi32>
      %max3A_515 = arith.maxsi %max3A_495, %min3A_514 : vector<16xi32>
      %min3A_516 = arith.minsi %max3A_495, %min3A_514 : vector<16xi32>
      %max3A_517 = arith.maxsi %max3A_497, %min3A_516 : vector<16xi32>
      %min3A_518 = arith.minsi %max3A_497, %min3A_516 : vector<16xi32>
      %max3A_519 = arith.maxsi %max3A_499, %min3A_518 : vector<16xi32>
      %min3A_520 = arith.minsi %max3A_499, %min3A_518 : vector<16xi32>
      %max3A_521 = arith.maxsi %max3A_501, %min3A_520 : vector<16xi32>
      %min3A_522 = arith.minsi %max3A_501, %min3A_520 : vector<16xi32>
      %max3A_523 = arith.maxsi %max3A_503, %min3A_522 : vector<16xi32>
      %min3A_524 = arith.minsi %max3A_503, %min3A_522 : vector<16xi32>
      %max3A_525 = arith.maxsi %max3A_505, %min3A_524 : vector<16xi32>
      %min3A_526 = arith.minsi %max3A_505, %min3A_524 : vector<16xi32>
      %max3A_527 = arith.maxsi %max3A_507, %min3A_526 : vector<16xi32>
      %min3A_528 = arith.minsi %max3A_507, %min3A_526 : vector<16xi32>
      %get3A_529 = arith.constant 26 : i32
      %get3A_530 = arith.index_cast %get3A_529 : i32 to index
      %get3A_531 = arith.index_cast %mul3A_11 : i32 to index
      %get3A_532 = tpu.vector_load %arg5[%get3A_530, %get3A_531] {strides = array<i32>} : memref<64x1024xi32, #tpu.memory_space<vmem>>, vector<16xi32>,
      %max3A_533 = arith.maxsi %max3A_513, %get3A_532 : vector<16xi32>
      %min3A_534 = arith.minsi %max3A_513, %get3A_532 : vector<16xi32>
      %max3A_535 = arith.maxsi %max3A_515, %min3A_534 : vector<16xi32>
      %min3A_536 = arith.minsi %max3A_515, %min3A_534 : vector<16xi32>
      %max3A_537 = arith.maxsi %max3A_517, %min3A_536 : vector<16xi32>
      %min3A_538 = arith.minsi %max3A_517, %min3A_536 : vector<16xi32>
      %max3A_539 = arith.maxsi %max3A_519, %min3A_538 : vector<16xi32>
      %min3A_540 = arith.minsi %max3A_519, %min3A_538 : vector<16xi32>
      %max3A_541 = arith.maxsi %max3A_521, %min3A_540 : vector<16xi32>
      %min3A_542 = arith.minsi %max3A_521, %min3A_540 : vector<16xi32>
      %max3A_543 = arith.maxsi %max3A_523, %min3A_542 : vector<16xi32>
      %min3A_544 = arith.minsi %max3A_523, %min3A_542 : vector<16xi32>
      %max3A_545 = arith.maxsi %max3A_525, %min3A_544 : vector<16xi32>
      %min3A_546 = arith.minsi %max3A_525, %min3A_544 : vector<16xi32>
      %max3A_547 = arith.maxsi %max3A_527, %min3A_546 : vector<16xi32>
      %min3A_548 = arith.minsi %max3A_527, %min3A_546 : vector<16xi32>
      %get3A_549 = arith.constant 27 : i32
      %get3A_550 = arith.index_cast %get3A_549 : i32 to index
      %get3A_551 = arith.index_cast %mul3A_11 : i32 to index
      %get3A_552 = tpu.vector_load %arg5[%get3A_550, %get3A_551] {strides = array<i32>} : memref<64x1024xi32, #tpu.memory_space<vmem>>, vector<16xi32>,
      %max3A_553 = arith.maxsi %max3A_533, %get3A_552 : vector<16xi32>
      %min3A_554 = arith.minsi %max3A_533, %get3A_552 : vector<16xi32>
      %max3A_555 = arith.maxsi %max3A_535, %min3A_554 : vector<16xi32>
      %min3A_556 = arith.minsi %max3A_535, %min3A_554 : vector<16xi32>
      %max3A_557 = arith.maxsi %max3A_537, %min3A_556 : vector<16xi32>
      %min3A_558 = arith.minsi %max3A_537, %min3A_556 : vector<16xi32>
      %max3A_559 = arith.maxsi %max3A_539, %min3A_558 : vector<16xi32>
      %min3A_560 = arith.minsi %max3A_539, %min3A_558 : vector<16xi32>
      %max3A_561 = arith.maxsi %max3A_541, %min3A_560 : vector<16xi32>
      %min3A_562 = arith.minsi %max3A_541, %min3A_560 : vector<16xi32>
      %max3A_563 = arith.maxsi %max3A_543, %min3A_562 : vector<16xi32>
      %min3A_564 = arith.minsi %max3A_543, %min3A_562 : vector<16xi32>
      %max3A_565 = arith.maxsi %max3A_545, %min3A_564 : vector<16xi32>
      %min3A_566 = arith.minsi %max3A_545, %min3A_564 : vector<16xi32>
      %max3A_567 = arith.maxsi %max3A_547, %min3A_566 : vector<16xi32>
      %min3A_568 = arith.minsi %max3A_547, %min3A_566 : vector<16xi32>
      %get3A_569 = arith.constant 28 : i32
      %get3A_570 = arith.index_cast %get3A_569 : i32 to index
      %get3A_571 = arith.index_cast %mul3A_11 : i32 to index
      %get3A_572 = tpu.vector_load %arg5[%get3A_570, %get3A_571] {strides = array<i32>} : memref<64x1024xi32, #tpu.memory_space<vmem>>, vector<16xi32>,
      %max3A_573 = arith.maxsi %max3A_553, %get3A_572 : vector<16xi32>
      %min3A_574 = arith.minsi %max3A_553, %get3A_572 : vector<16xi32>
      %max3A_575 = arith.maxsi %max3A_555, %min3A_574 : vector<16xi32>
      %min3A_576 = arith.minsi %max3A_555, %min3A_574 : vector<16xi32>
      %max3A_577 = arith.maxsi %max3A_557, %min3A_576 : vector<16xi32>
      %min3A_578 = arith.minsi %max3A_557, %min3A_576 : vector<16xi32>
      %max3A_579 = arith.maxsi %max3A_559, %min3A_578 : vector<16xi32>
      %min3A_580 = arith.minsi %max3A_559, %min3A_578 : vector<16xi32>
      %max3A_581 = arith.maxsi %max3A_561, %min3A_580 : vector<16xi32>
      %min3A_582 = arith.minsi %max3A_561, %min3A_580 : vector<16xi32>
      %max3A_583 = arith.maxsi %max3A_563, %min3A_582 : vector<16xi32>
      %min3A_584 = arith.minsi %max3A_563, %min3A_582 : vector<16xi32>
      %max3A_585 = arith.maxsi %max3A_565, %min3A_584 : vector<16xi32>
      %min3A_586 = arith.minsi %max3A_565, %min3A_584 : vector<16xi32>
      %max3A_587 = arith.maxsi %max3A_567, %min3A_586 : vector<16xi32>
      %min3A_588 = arith.minsi %max3A_567, %min3A_586 : vector<16xi32>
      %get3A_589 = arith.constant 29 : i32
      %get3A_590 = arith.index_cast %get3A_589 : i32 to index
      %get3A_591 = arith.index_cast %mul3A_11 : i32 to index
      %get3A_592 = tpu.vector_load %arg5[%get3A_590, %get3A_591] {strides = array<i32>} : memref<64x1024xi32, #tpu.memory_space<vmem>>, vector<16xi32>,
      %max3A_593 = arith.maxsi %max3A_573, %get3A_592 : vector<16xi32>
      %min3A_594 = arith.minsi %max3A_573, %get3A_592 : vector<16xi32>
      %max3A_595 = arith.maxsi %max3A_575, %min3A_594 : vector<16xi32>
      %min3A_596 = arith.minsi %max3A_575, %min3A_594 : vector<16xi32>
      %max3A_597 = arith.maxsi %max3A_577, %min3A_596 : vector<16xi32>
      %min3A_598 = arith.minsi %max3A_577, %min3A_596 : vector<16xi32>
      %max3A_599 = arith.maxsi %max3A_579, %min3A_598 : vector<16xi32>
      %min3A_600 = arith.minsi %max3A_579, %min3A_598 : vector<16xi32>
      %max3A_601 = arith.maxsi %max3A_581, %min3A_600 : vector<16xi32>
      %min3A_602 = arith.minsi %max3A_581, %min3A_600 : vector<16xi32>
      %max3A_603 = arith.maxsi %max3A_583, %min3A_602 : vector<16xi32>
      %min3A_604 = arith.minsi %max3A_583, %min3A_602 : vector<16xi32>
      %max3A_605 = arith.maxsi %max3A_585, %min3A_604 : vector<16xi32>
      %min3A_606 = arith.minsi %max3A_585, %min3A_604 : vector<16xi32>
      %max3A_607 = arith.maxsi %max3A_587, %min3A_606 : vector<16xi32>
      %min3A_608 = arith.minsi %max3A_587, %min3A_606 : vector<16xi32>
      %get3A_609 = arith.constant 30 : i32
      %get3A_610 = arith.index_cast %get3A_609 : i32 to index
      %get3A_611 = arith.index_cast %mul3A_11 : i32 to index
      %get3A_612 = tpu.vector_load %arg5[%get3A_610, %get3A_611] {strides = array<i32>} : memref<64x1024xi32, #tpu.memory_space<vmem>>, vector<16xi32>,
      %max3A_613 = arith.maxsi %max3A_593, %get3A_612 : vector<16xi32>
      %min3A_614 = arith.minsi %max3A_593, %get3A_612 : vector<16xi32>
      %max3A_615 = arith.maxsi %max3A_595, %min3A_614 : vector<16xi32>
      %min3A_616 = arith.minsi %max3A_595, %min3A_614 : vector<16xi32>
      %max3A_617 = arith.maxsi %max3A_597, %min3A_616 : vector<16xi32>
      %min3A_618 = arith.minsi %max3A_597, %min3A_616 : vector<16xi32>
      %max3A_619 = arith.maxsi %max3A_599, %min3A_618 : vector<16xi32>
      %min3A_620 = arith.minsi %max3A_599, %min3A_618 : vector<16xi32>
      %max3A_621 = arith.maxsi %max3A_601, %min3A_620 : vector<16xi32>
      %min3A_622 = arith.minsi %max3A_601, %min3A_620 : vector<16xi32>
      %max3A_623 = arith.maxsi %max3A_603, %min3A_622 : vector<16xi32>
      %min3A_624 = arith.minsi %max3A_603, %min3A_622 : vector<16xi32>
      %max3A_625 = arith.maxsi %max3A_605, %min3A_624 : vector<16xi32>
      %min3A_626 = arith.minsi %max3A_605, %min3A_624 : vector<16xi32>
      %max3A_627 = arith.maxsi %max3A_607, %min3A_626 : vector<16xi32>
      %min3A_628 = arith.minsi %max3A_607, %min3A_626 : vector<16xi32>
      %get3A_629 = arith.constant 31 : i32
      %get3A_630 = arith.index_cast %get3A_629 : i32 to index
      %get3A_631 = arith.index_cast %mul3A_11 : i32 to index
      %get3A_632 = tpu.vector_load %arg5[%get3A_630, %get3A_631] {strides = array<i32>} : memref<64x1024xi32, #tpu.memory_space<vmem>>, vector<16xi32>,
      %max3A_633 = arith.maxsi %max3A_613, %get3A_632 : vector<16xi32>
      %min3A_634 = arith.minsi %max3A_613, %get3A_632 : vector<16xi32>
      %max3A_635 = arith.maxsi %max3A_615, %min3A_634 : vector<16xi32>
      %min3A_636 = arith.minsi %max3A_615, %min3A_634 : vector<16xi32>
      %max3A_637 = arith.maxsi %max3A_617, %min3A_636 : vector<16xi32>
      %min3A_638 = arith.minsi %max3A_617, %min3A_636 : vector<16xi32>
      %max3A_639 = arith.maxsi %max3A_619, %min3A_638 : vector<16xi32>
      %min3A_640 = arith.minsi %max3A_619, %min3A_638 : vector<16xi32>
      %max3A_641 = arith.maxsi %max3A_621, %min3A_640 : vector<16xi32>
      %min3A_642 = arith.minsi %max3A_621, %min3A_640 : vector<16xi32>
      %max3A_643 = arith.maxsi %max3A_623, %min3A_642 : vector<16xi32>
      %min3A_644 = arith.minsi %max3A_623, %min3A_642 : vector<16xi32>
      %max3A_645 = arith.maxsi %max3A_625, %min3A_644 : vector<16xi32>
      %min3A_646 = arith.minsi %max3A_625, %min3A_644 : vector<16xi32>
      %max3A_647 = arith.maxsi %max3A_627, %min3A_646 : vector<16xi32>
      %min3A_648 = arith.minsi %max3A_627, %min3A_646 : vector<16xi32>
      %get3A_649 = arith.constant 32 : i32
      %get3A_650 = arith.index_cast %get3A_649 : i32 to index
      %get3A_651 = arith.index_cast %mul3A_11 : i32 to index
      %get3A_652 = tpu.vector_load %arg5[%get3A_650, %get3A_651] {strides = array<i32>} : memref<64x1024xi32, #tpu.memory_space<vmem>>, vector<16xi32>,
      %max3A_653 = arith.maxsi %max3A_633, %get3A_652 : vector<16xi32>
      %min3A_654 = arith.minsi %max3A_633, %get3A_652 : vector<16xi32>
      %max3A_655 = arith.maxsi %max3A_635, %min3A_654 : vector<16xi32>
      %min3A_656 = arith.minsi %max3A_635, %min3A_654 : vector<16xi32>
      %max3A_657 = arith.maxsi %max3A_637, %min3A_656 : vector<16xi32>
      %min3A_658 = arith.minsi %max3A_637, %min3A_656 : vector<16xi32>
      %max3A_659 = arith.maxsi %max3A_639, %min3A_658 : vector<16xi32>
      %min3A_660 = arith.minsi %max3A_639, %min3A_658 : vector<16xi32>
      %max3A_661 = arith.maxsi %max3A_641, %min3A_660 : vector<16xi32>
      %min3A_662 = arith.minsi %max3A_641, %min3A_660 : vector<16xi32>
      %max3A_663 = arith.maxsi %max3A_643, %min3A_662 : vector<16xi32>
      %min3A_664 = arith.minsi %max3A_643, %min3A_662 : vector<16xi32>
      %max3A_665 = arith.maxsi %max3A_645, %min3A_664 : vector<16xi32>
      %min3A_666 = arith.minsi %max3A_645, %min3A_664 : vector<16xi32>
      %max3A_667 = arith.maxsi %max3A_647, %min3A_666 : vector<16xi32>
      %min3A_668 = arith.minsi %max3A_647, %min3A_666 : vector<16xi32>
      %get3A_669 = arith.constant 33 : i32
      %get3A_670 = arith.index_cast %get3A_669 : i32 to index
      %get3A_671 = arith.index_cast %mul3A_11 : i32 to index
      %get3A_672 = tpu.vector_load %arg5[%get3A_670, %get3A_671] {strides = array<i32>} : memref<64x1024xi32, #tpu.memory_space<vmem>>, vector<16xi32>,
      %max3A_673 = arith.maxsi %max3A_653, %get3A_672 : vector<16xi32>
      %min3A_674 = arith.minsi %max3A_653, %get3A_672 : vector<16xi32>
      %max3A_675 = arith.maxsi %max3A_655, %min3A_674 : vector<16xi32>
      %min3A_676 = arith.minsi %max3A_655, %min3A_674 : vector<16xi32>
      %max3A_677 = arith.maxsi %max3A_657, %min3A_676 : vector<16xi32>
      %min3A_678 = arith.minsi %max3A_657, %min3A_676 : vector<16xi32>
      %max3A_679 = arith.maxsi %max3A_659, %min3A_678 : vector<16xi32>
      %min3A_680 = arith.minsi %max3A_659, %min3A_678 : vector<16xi32>
      %max3A_681 = arith.maxsi %max3A_661, %min3A_680 : vector<16xi32>
      %min3A_682 = arith.minsi %max3A_661, %min3A_680 : vector<16xi32>
      %max3A_683 = arith.maxsi %max3A_663, %min3A_682 : vector<16xi32>
      %min3A_684 = arith.minsi %max3A_663, %min3A_682 : vector<16xi32>
      %max3A_685 = arith.maxsi %max3A_665, %min3A_684 : vector<16xi32>
      %min3A_686 = arith.minsi %max3A_665, %min3A_684 : vector<16xi32>
      %max3A_687 = arith.maxsi %max3A_667, %min3A_686 : vector<16xi32>
      %min3A_688 = arith.minsi %max3A_667, %min3A_686 : vector<16xi32>
      %get3A_689 = arith.constant 34 : i32
      %get3A_690 = arith.index_cast %get3A_689 : i32 to index
      %get3A_691 = arith.index_cast %mul3A_11 : i32 to index
      %get3A_692 = tpu.vector_load %arg5[%get3A_690, %get3A_691] {strides = array<i32>} : memref<64x1024xi32, #tpu.memory_space<vmem>>, vector<16xi32>,
      %max3A_693 = arith.maxsi %max3A_673, %get3A_692 : vector<16xi32>
      %min3A_694 = arith.minsi %max3A_673, %get3A_692 : vector<16xi32>
      %max3A_695 = arith.maxsi %max3A_675, %min3A_694 : vector<16xi32>
      %min3A_696 = arith.minsi %max3A_675, %min3A_694 : vector<16xi32>
      %max3A_697 = arith.maxsi %max3A_677, %min3A_696 : vector<16xi32>
      %min3A_698 = arith.minsi %max3A_677, %min3A_696 : vector<16xi32>
      %max3A_699 = arith.maxsi %max3A_679, %min3A_698 : vector<16xi32>
      %min3A_700 = arith.minsi %max3A_679, %min3A_698 : vector<16xi32>
      %max3A_701 = arith.maxsi %max3A_681, %min3A_700 : vector<16xi32>
      %min3A_702 = arith.minsi %max3A_681, %min3A_700 : vector<16xi32>
      %max3A_703 = arith.maxsi %max3A_683, %min3A_702 : vector<16xi32>
      %min3A_704 = arith.minsi %max3A_683, %min3A_702 : vector<16xi32>
      %max3A_705 = arith.maxsi %max3A_685, %min3A_704 : vector<16xi32>
      %min3A_706 = arith.minsi %max3A_685, %min3A_704 : vector<16xi32>
      %max3A_707 = arith.maxsi %max3A_687, %min3A_706 : vector<16xi32>
      %min3A_708 = arith.minsi %max3A_687, %min3A_706 : vector<16xi32>
      %get3A_709 = arith.constant 35 : i32
      %get3A_710 = arith.index_cast %get3A_709 : i32 to index
      %get3A_711 = arith.index_cast %mul3A_11 : i32 to index
      %get3A_712 = tpu.vector_load %arg5[%get3A_710, %get3A_711] {strides = array<i32>} : memref<64x1024xi32, #tpu.memory_space<vmem>>, vector<16xi32>,
      %max3A_713 = arith.maxsi %max3A_693, %get3A_712 : vector<16xi32>
      %min3A_714 = arith.minsi %max3A_693, %get3A_712 : vector<16xi32>
      %max3A_715 = arith.maxsi %max3A_695, %min3A_714 : vector<16xi32>
      %min3A_716 = arith.minsi %max3A_695, %min3A_714 : vector<16xi32>
      %max3A_717 = arith.maxsi %max3A_697, %min3A_716 : vector<16xi32>
      %min3A_718 = arith.minsi %max3A_697, %min3A_716 : vector<16xi32>
      %max3A_719 = arith.maxsi %max3A_699, %min3A_718 : vector<16xi32>
      %min3A_720 = arith.minsi %max3A_699, %min3A_718 : vector<16xi32>
      %max3A_721 = arith.maxsi %max3A_701, %min3A_720 : vector<16xi32>
      %min3A_722 = arith.minsi %max3A_701, %min3A_720 : vector<16xi32>
      %max3A_723 = arith.maxsi %max3A_703, %min3A_722 : vector<16xi32>
      %min3A_724 = arith.minsi %max3A_703, %min3A_722 : vector<16xi32>
      %max3A_725 = arith.maxsi %max3A_705, %min3A_724 : vector<16xi32>
      %min3A_726 = arith.minsi %max3A_705, %min3A_724 : vector<16xi32>
      %max3A_727 = arith.maxsi %max3A_707, %min3A_726 : vector<16xi32>
      %min3A_728 = arith.minsi %max3A_707, %min3A_726 : vector<16xi32>
      %get3A_729 = arith.constant 36 : i32
      %get3A_730 = arith.index_cast %get3A_729 : i32 to index
      %get3A_731 = arith.index_cast %mul3A_11 : i32 to index
      %get3A_732 = tpu.vector_load %arg5[%get3A_730, %get3A_731] {strides = array<i32>} : memref<64x1024xi32, #tpu.memory_space<vmem>>, vector<16xi32>,
      %max3A_733 = arith.maxsi %max3A_713, %get3A_732 : vector<16xi32>
      %min3A_734 = arith.minsi %max3A_713, %get3A_732 : vector<16xi32>
      %max3A_735 = arith.maxsi %max3A_715, %min3A_734 : vector<16xi32>
      %min3A_736 = arith.minsi %max3A_715, %min3A_734 : vector<16xi32>
      %max3A_737 = arith.maxsi %max3A_717, %min3A_736 : vector<16xi32>
      %min3A_738 = arith.minsi %max3A_717, %min3A_736 : vector<16xi32>
      %max3A_739 = arith.maxsi %max3A_719, %min3A_738 : vector<16xi32>
      %min3A_740 = arith.minsi %max3A_719, %min3A_738 : vector<16xi32>
      %max3A_741 = arith.maxsi %max3A_721, %min3A_740 : vector<16xi32>
      %min3A_742 = arith.minsi %max3A_721, %min3A_740 : vector<16xi32>
      %max3A_743 = arith.maxsi %max3A_723, %min3A_742 : vector<16xi32>
      %min3A_744 = arith.minsi %max3A_723, %min3A_742 : vector<16xi32>
      %max3A_745 = arith.maxsi %max3A_725, %min3A_744 : vector<16xi32>
      %min3A_746 = arith.minsi %max3A_725, %min3A_744 : vector<16xi32>
      %max3A_747 = arith.maxsi %max3A_727, %min3A_746 : vector<16xi32>
      %min3A_748 = arith.minsi %max3A_727, %min3A_746 : vector<16xi32>
      %get3A_749 = arith.constant 37 : i32
      %get3A_750 = arith.index_cast %get3A_749 : i32 to index
      %get3A_751 = arith.index_cast %mul3A_11 : i32 to index
      %get3A_752 = tpu.vector_load %arg5[%get3A_750, %get3A_751] {strides = array<i32>} : memref<64x1024xi32, #tpu.memory_space<vmem>>, vector<16xi32>,
      %max3A_753 = arith.maxsi %max3A_733, %get3A_752 : vector<16xi32>
      %min3A_754 = arith.minsi %max3A_733, %get3A_752 : vector<16xi32>
      %max3A_755 = arith.maxsi %max3A_735, %min3A_754 : vector<16xi32>
      %min3A_756 = arith.minsi %max3A_735, %min3A_754 : vector<16xi32>
      %max3A_757 = arith.maxsi %max3A_737, %min3A_756 : vector<16xi32>
      %min3A_758 = arith.minsi %max3A_737, %min3A_756 : vector<16xi32>
      %max3A_759 = arith.maxsi %max3A_739, %min3A_758 : vector<16xi32>
      %min3A_760 = arith.minsi %max3A_739, %min3A_758 : vector<16xi32>
      %max3A_761 = arith.maxsi %max3A_741, %min3A_760 : vector<16xi32>
      %min3A_762 = arith.minsi %max3A_741, %min3A_760 : vector<16xi32>
      %max3A_763 = arith.maxsi %max3A_743, %min3A_762 : vector<16xi32>
      %min3A_764 = arith.minsi %max3A_743, %min3A_762 : vector<16xi32>
      %max3A_765 = arith.maxsi %max3A_745, %min3A_764 : vector<16xi32>
      %min3A_766 = arith.minsi %max3A_745, %min3A_764 : vector<16xi32>
      %max3A_767 = arith.maxsi %max3A_747, %min3A_766 : vector<16xi32>
      %min3A_768 = arith.minsi %max3A_747, %min3A_766 : vector<16xi32>
      %get3A_769 = arith.constant 38 : i32
      %get3A_770 = arith.index_cast %get3A_769 : i32 to index
      %get3A_771 = arith.index_cast %mul3A_11 : i32 to index
      %get3A_772 = tpu.vector_load %arg5[%get3A_770, %get3A_771] {strides = array<i32>} : memref<64x1024xi32, #tpu.memory_space<vmem>>, vector<16xi32>,
      %max3A_773 = arith.maxsi %max3A_753, %get3A_772 : vector<16xi32>
      %min3A_774 = arith.minsi %max3A_753, %get3A_772 : vector<16xi32>
      %max3A_775 = arith.maxsi %max3A_755, %min3A_774 : vector<16xi32>
      %min3A_776 = arith.minsi %max3A_755, %min3A_774 : vector<16xi32>
      %max3A_777 = arith.maxsi %max3A_757, %min3A_776 : vector<16xi32>
      %min3A_778 = arith.minsi %max3A_757, %min3A_776 : vector<16xi32>
      %max3A_779 = arith.maxsi %max3A_759, %min3A_778 : vector<16xi32>
      %min3A_780 = arith.minsi %max3A_759, %min3A_778 : vector<16xi32>
      %max3A_781 = arith.maxsi %max3A_761, %min3A_780 : vector<16xi32>
      %min3A_782 = arith.minsi %max3A_761, %min3A_780 : vector<16xi32>
      %max3A_783 = arith.maxsi %max3A_763, %min3A_782 : vector<16xi32>
      %min3A_784 = arith.minsi %max3A_763, %min3A_782 : vector<16xi32>
      %max3A_785 = arith.maxsi %max3A_765, %min3A_784 : vector<16xi32>
      %min3A_786 = arith.minsi %max3A_765, %min3A_784 : vector<16xi32>
      %max3A_787 = arith.maxsi %max3A_767, %min3A_786 : vector<16xi32>
      %min3A_788 = arith.minsi %max3A_767, %min3A_786 : vector<16xi32>
      %get3A_789 = arith.constant 39 : i32
      %get3A_790 = arith.index_cast %get3A_789 : i32 to index
      %get3A_791 = arith.index_cast %mul3A_11 : i32 to index
      %get3A_792 = tpu.vector_load %arg5[%get3A_790, %get3A_791] {strides = array<i32>} : memref<64x1024xi32, #tpu.memory_space<vmem>>, vector<16xi32>,
      %max3A_793 = arith.maxsi %max3A_773, %get3A_792 : vector<16xi32>
      %min3A_794 = arith.minsi %max3A_773, %get3A_792 : vector<16xi32>
      %max3A_795 = arith.maxsi %max3A_775, %min3A_794 : vector<16xi32>
      %min3A_796 = arith.minsi %max3A_775, %min3A_794 : vector<16xi32>
      %max3A_797 = arith.maxsi %max3A_777, %min3A_796 : vector<16xi32>
      %min3A_798 = arith.minsi %max3A_777, %min3A_796 : vector<16xi32>
      %max3A_799 = arith.maxsi %max3A_779, %min3A_798 : vector<16xi32>
      %min3A_800 = arith.minsi %max3A_779, %min3A_798 : vector<16xi32>
      %max3A_801 = arith.maxsi %max3A_781, %min3A_800 : vector<16xi32>
      %min3A_802 = arith.minsi %max3A_781, %min3A_800 : vector<16xi32>
      %max3A_803 = arith.maxsi %max3A_783, %min3A_802 : vector<16xi32>
      %min3A_804 = arith.minsi %max3A_783, %min3A_802 : vector<16xi32>
      %max3A_805 = arith.maxsi %max3A_785, %min3A_804 : vector<16xi32>
      %min3A_806 = arith.minsi %max3A_785, %min3A_804 : vector<16xi32>
      %max3A_807 = arith.maxsi %max3A_787, %min3A_806 : vector<16xi32>
      %min3A_808 = arith.minsi %max3A_787, %min3A_806 : vector<16xi32>
      %get3A_809 = arith.constant 40 : i32
      %get3A_810 = arith.index_cast %get3A_809 : i32 to index
      %get3A_811 = arith.index_cast %mul3A_11 : i32 to index
      %get3A_812 = tpu.vector_load %arg5[%get3A_810, %get3A_811] {strides = array<i32>} : memref<64x1024xi32, #tpu.memory_space<vmem>>, vector<16xi32>,
      %max3A_813 = arith.maxsi %max3A_793, %get3A_812 : vector<16xi32>
      %min3A_814 = arith.minsi %max3A_793, %get3A_812 : vector<16xi32>
      %max3A_815 = arith.maxsi %max3A_795, %min3A_814 : vector<16xi32>
      %min3A_816 = arith.minsi %max3A_795, %min3A_814 : vector<16xi32>
      %max3A_817 = arith.maxsi %max3A_797, %min3A_816 : vector<16xi32>
      %min3A_818 = arith.minsi %max3A_797, %min3A_816 : vector<16xi32>
      %max3A_819 = arith.maxsi %max3A_799, %min3A_818 : vector<16xi32>
      %min3A_820 = arith.minsi %max3A_799, %min3A_818 : vector<16xi32>
      %max3A_821 = arith.maxsi %max3A_801, %min3A_820 : vector<16xi32>
      %min3A_822 = arith.minsi %max3A_801, %min3A_820 : vector<16xi32>
      %max3A_823 = arith.maxsi %max3A_803, %min3A_822 : vector<16xi32>
      %min3A_824 = arith.minsi %max3A_803, %min3A_822 : vector<16xi32>
      %max3A_825 = arith.maxsi %max3A_805, %min3A_824 : vector<16xi32>
      %min3A_826 = arith.minsi %max3A_805, %min3A_824 : vector<16xi32>
      %max3A_827 = arith.maxsi %max3A_807, %min3A_826 : vector<16xi32>
      %min3A_828 = arith.minsi %max3A_807, %min3A_826 : vector<16xi32>
      %get3A_829 = arith.constant 41 : i32
      %get3A_830 = arith.index_cast %get3A_829 : i32 to index
      %get3A_831 = arith.index_cast %mul3A_11 : i32 to index
      %get3A_832 = tpu.vector_load %arg5[%get3A_830, %get3A_831] {strides = array<i32>} : memref<64x1024xi32, #tpu.memory_space<vmem>>, vector<16xi32>,
      %max3A_833 = arith.maxsi %max3A_813, %get3A_832 : vector<16xi32>
      %min3A_834 = arith.minsi %max3A_813, %get3A_832 : vector<16xi32>
      %max3A_835 = arith.maxsi %max3A_815, %min3A_834 : vector<16xi32>
      %min3A_836 = arith.minsi %max3A_815, %min3A_834 : vector<16xi32>
      %max3A_837 = arith.maxsi %max3A_817, %min3A_836 : vector<16xi32>
      %min3A_838 = arith.minsi %max3A_817, %min3A_836 : vector<16xi32>
      %max3A_839 = arith.maxsi %max3A_819, %min3A_838 : vector<16xi32>
      %min3A_840 = arith.minsi %max3A_819, %min3A_838 : vector<16xi32>
      %max3A_841 = arith.maxsi %max3A_821, %min3A_840 : vector<16xi32>
      %min3A_842 = arith.minsi %max3A_821, %min3A_840 : vector<16xi32>
      %max3A_843 = arith.maxsi %max3A_823, %min3A_842 : vector<16xi32>
      %min3A_844 = arith.minsi %max3A_823, %min3A_842 : vector<16xi32>
      %max3A_845 = arith.maxsi %max3A_825, %min3A_844 : vector<16xi32>
      %min3A_846 = arith.minsi %max3A_825, %min3A_844 : vector<16xi32>
      %max3A_847 = arith.maxsi %max3A_827, %min3A_846 : vector<16xi32>
      %min3A_848 = arith.minsi %max3A_827, %min3A_846 : vector<16xi32>
      %get3A_849 = arith.constant 42 : i32
      %get3A_850 = arith.index_cast %get3A_849 : i32 to index
      %get3A_851 = arith.index_cast %mul3A_11 : i32 to index
      %get3A_852 = tpu.vector_load %arg5[%get3A_850, %get3A_851] {strides = array<i32>} : memref<64x1024xi32, #tpu.memory_space<vmem>>, vector<16xi32>,
      %max3A_853 = arith.maxsi %max3A_833, %get3A_852 : vector<16xi32>
      %min3A_854 = arith.minsi %max3A_833, %get3A_852 : vector<16xi32>
      %max3A_855 = arith.maxsi %max3A_835, %min3A_854 : vector<16xi32>
      %min3A_856 = arith.minsi %max3A_835, %min3A_854 : vector<16xi32>
      %max3A_857 = arith.maxsi %max3A_837, %min3A_856 : vector<16xi32>
      %min3A_858 = arith.minsi %max3A_837, %min3A_856 : vector<16xi32>
      %max3A_859 = arith.maxsi %max3A_839, %min3A_858 : vector<16xi32>
      %min3A_860 = arith.minsi %max3A_839, %min3A_858 : vector<16xi32>
      %max3A_861 = arith.maxsi %max3A_841, %min3A_860 : vector<16xi32>
      %min3A_862 = arith.minsi %max3A_841, %min3A_860 : vector<16xi32>
      %max3A_863 = arith.maxsi %max3A_843, %min3A_862 : vector<16xi32>
      %min3A_864 = arith.minsi %max3A_843, %min3A_862 : vector<16xi32>
      %max3A_865 = arith.maxsi %max3A_845, %min3A_864 : vector<16xi32>
      %min3A_866 = arith.minsi %max3A_845, %min3A_864 : vector<16xi32>
      %max3A_867 = arith.maxsi %max3A_847, %min3A_866 : vector<16xi32>
      %min3A_868 = arith.minsi %max3A_847, %min3A_866 : vector<16xi32>
      %get3A_869 = arith.constant 43 : i32
      %get3A_870 = arith.index_cast %get3A_869 : i32 to index
      %get3A_871 = arith.index_cast %mul3A_11 : i32 to index
      %get3A_872 = tpu.vector_load %arg5[%get3A_870, %get3A_871] {strides = array<i32>} : memref<64x1024xi32, #tpu.memory_space<vmem>>, vector<16xi32>,
      %max3A_873 = arith.maxsi %max3A_853, %get3A_872 : vector<16xi32>
      %min3A_874 = arith.minsi %max3A_853, %get3A_872 : vector<16xi32>
      %max3A_875 = arith.maxsi %max3A_855, %min3A_874 : vector<16xi32>
      %min3A_876 = arith.minsi %max3A_855, %min3A_874 : vector<16xi32>
      %max3A_877 = arith.maxsi %max3A_857, %min3A_876 : vector<16xi32>
      %min3A_878 = arith.minsi %max3A_857, %min3A_876 : vector<16xi32>
      %max3A_879 = arith.maxsi %max3A_859, %min3A_878 : vector<16xi32>
      %min3A_880 = arith.minsi %max3A_859, %min3A_878 : vector<16xi32>
      %max3A_881 = arith.maxsi %max3A_861, %min3A_880 : vector<16xi32>
      %min3A_882 = arith.minsi %max3A_861, %min3A_880 : vector<16xi32>
      %max3A_883 = arith.maxsi %max3A_863, %min3A_882 : vector<16xi32>
      %min3A_884 = arith.minsi %max3A_863, %min3A_882 : vector<16xi32>
      %max3A_885 = arith.maxsi %max3A_865, %min3A_884 : vector<16xi32>
      %min3A_886 = arith.minsi %max3A_865, %min3A_884 : vector<16xi32>
      %max3A_887 = arith.maxsi %max3A_867, %min3A_886 : vector<16xi32>
      %min3A_888 = arith.minsi %max3A_867, %min3A_886 : vector<16xi32>
      %get3A_889 = arith.constant 44 : i32
      %get3A_890 = arith.index_cast %get3A_889 : i32 to index
      %get3A_891 = arith.index_cast %mul3A_11 : i32 to index
      %get3A_892 = tpu.vector_load %arg5[%get3A_890, %get3A_891] {strides = array<i32>} : memref<64x1024xi32, #tpu.memory_space<vmem>>, vector<16xi32>,
      %max3A_893 = arith.maxsi %max3A_873, %get3A_892 : vector<16xi32>
      %min3A_894 = arith.minsi %max3A_873, %get3A_892 : vector<16xi32>
      %max3A_895 = arith.maxsi %max3A_875, %min3A_894 : vector<16xi32>
      %min3A_896 = arith.minsi %max3A_875, %min3A_894 : vector<16xi32>
      %max3A_897 = arith.maxsi %max3A_877, %min3A_896 : vector<16xi32>
      %min3A_898 = arith.minsi %max3A_877, %min3A_896 : vector<16xi32>
      %max3A_899 = arith.maxsi %max3A_879, %min3A_898 : vector<16xi32>
      %min3A_900 = arith.minsi %max3A_879, %min3A_898 : vector<16xi32>
      %max3A_901 = arith.maxsi %max3A_881, %min3A_900 : vector<16xi32>
      %min3A_902 = arith.minsi %max3A_881, %min3A_900 : vector<16xi32>
      %max3A_903 = arith.maxsi %max3A_883, %min3A_902 : vector<16xi32>
      %min3A_904 = arith.minsi %max3A_883, %min3A_902 : vector<16xi32>
      %max3A_905 = arith.maxsi %max3A_885, %min3A_904 : vector<16xi32>
      %min3A_906 = arith.minsi %max3A_885, %min3A_904 : vector<16xi32>
      %max3A_907 = arith.maxsi %max3A_887, %min3A_906 : vector<16xi32>
      %min3A_908 = arith.minsi %max3A_887, %min3A_906 : vector<16xi32>
      %get3A_909 = arith.constant 45 : i32
      %get3A_910 = arith.index_cast %get3A_909 : i32 to index
      %get3A_911 = arith.index_cast %mul3A_11 : i32 to index
      %get3A_912 = tpu.vector_load %arg5[%get3A_910, %get3A_911] {strides = array<i32>} : memref<64x1024xi32, #tpu.memory_space<vmem>>, vector<16xi32>,
      %max3A_913 = arith.maxsi %max3A_893, %get3A_912 : vector<16xi32>
      %min3A_914 = arith.minsi %max3A_893, %get3A_912 : vector<16xi32>
      %max3A_915 = arith.maxsi %max3A_895, %min3A_914 : vector<16xi32>
      %min3A_916 = arith.minsi %max3A_895, %min3A_914 : vector<16xi32>
      %max3A_917 = arith.maxsi %max3A_897, %min3A_916 : vector<16xi32>
      %min3A_918 = arith.minsi %max3A_897, %min3A_916 : vector<16xi32>
      %max3A_919 = arith.maxsi %max3A_899, %min3A_918 : vector<16xi32>
      %min3A_920 = arith.minsi %max3A_899, %min3A_918 : vector<16xi32>
      %max3A_921 = arith.maxsi %max3A_901, %min3A_920 : vector<16xi32>
      %min3A_922 = arith.minsi %max3A_901, %min3A_920 : vector<16xi32>
      %max3A_923 = arith.maxsi %max3A_903, %min3A_922 : vector<16xi32>
      %min3A_924 = arith.minsi %max3A_903, %min3A_922 : vector<16xi32>
      %max3A_925 = arith.maxsi %max3A_905, %min3A_924 : vector<16xi32>
      %min3A_926 = arith.minsi %max3A_905, %min3A_924 : vector<16xi32>
      %max3A_927 = arith.maxsi %max3A_907, %min3A_926 : vector<16xi32>
      %min3A_928 = arith.minsi %max3A_907, %min3A_926 : vector<16xi32>
      %get3A_929 = arith.constant 46 : i32
      %get3A_930 = arith.index_cast %get3A_929 : i32 to index
      %get3A_931 = arith.index_cast %mul3A_11 : i32 to index
      %get3A_932 = tpu.vector_load %arg5[%get3A_930, %get3A_931] {strides = array<i32>} : memref<64x1024xi32, #tpu.memory_space<vmem>>, vector<16xi32>,
      %max3A_933 = arith.maxsi %max3A_913, %get3A_932 : vector<16xi32>
      %min3A_934 = arith.minsi %max3A_913, %get3A_932 : vector<16xi32>
      %max3A_935 = arith.maxsi %max3A_915, %min3A_934 : vector<16xi32>
      %min3A_936 = arith.minsi %max3A_915, %min3A_934 : vector<16xi32>
      %max3A_937 = arith.maxsi %max3A_917, %min3A_936 : vector<16xi32>
      %min3A_938 = arith.minsi %max3A_917, %min3A_936 : vector<16xi32>
      %max3A_939 = arith.maxsi %max3A_919, %min3A_938 : vector<16xi32>
      %min3A_940 = arith.minsi %max3A_919, %min3A_938 : vector<16xi32>
      %max3A_941 = arith.maxsi %max3A_921, %min3A_940 : vector<16xi32>
      %min3A_942 = arith.minsi %max3A_921, %min3A_940 : vector<16xi32>
      %max3A_943 = arith.maxsi %max3A_923, %min3A_942 : vector<16xi32>
      %min3A_944 = arith.minsi %max3A_923, %min3A_942 : vector<16xi32>
      %max3A_945 = arith.maxsi %max3A_925, %min3A_944 : vector<16xi32>
      %min3A_946 = arith.minsi %max3A_925, %min3A_944 : vector<16xi32>
      %max3A_947 = arith.maxsi %max3A_927, %min3A_946 : vector<16xi32>
      %min3A_948 = arith.minsi %max3A_927, %min3A_946 : vector<16xi32>
      %get3A_949 = arith.constant 47 : i32
      %get3A_950 = arith.index_cast %get3A_949 : i32 to index
      %get3A_951 = arith.index_cast %mul3A_11 : i32 to index
      %get3A_952 = tpu.vector_load %arg5[%get3A_950, %get3A_951] {strides = array<i32>} : memref<64x1024xi32, #tpu.memory_space<vmem>>, vector<16xi32>,
      %max3A_953 = arith.maxsi %max3A_933, %get3A_952 : vector<16xi32>
      %min3A_954 = arith.minsi %max3A_933, %get3A_952 : vector<16xi32>
      %max3A_955 = arith.maxsi %max3A_935, %min3A_954 : vector<16xi32>
      %min3A_956 = arith.minsi %max3A_935, %min3A_954 : vector<16xi32>
      %max3A_957 = arith.maxsi %max3A_937, %min3A_956 : vector<16xi32>
      %min3A_958 = arith.minsi %max3A_937, %min3A_956 : vector<16xi32>
      %max3A_959 = arith.maxsi %max3A_939, %min3A_958 : vector<16xi32>
      %min3A_960 = arith.minsi %max3A_939, %min3A_958 : vector<16xi32>
      %max3A_961 = arith.maxsi %max3A_941, %min3A_960 : vector<16xi32>
      %min3A_962 = arith.minsi %max3A_941, %min3A_960 : vector<16xi32>
      %max3A_963 = arith.maxsi %max3A_943, %min3A_962 : vector<16xi32>
      %min3A_964 = arith.minsi %max3A_943, %min3A_962 : vector<16xi32>
      %max3A_965 = arith.maxsi %max3A_945, %min3A_964 : vector<16xi32>
      %min3A_966 = arith.minsi %max3A_945, %min3A_964 : vector<16xi32>
      %max3A_967 = arith.maxsi %max3A_947, %min3A_966 : vector<16xi32>
      %min3A_968 = arith.minsi %max3A_947, %min3A_966 : vector<16xi32>
      %get3A_969 = arith.constant 48 : i32
      %get3A_970 = arith.index_cast %get3A_969 : i32 to index
      %get3A_971 = arith.index_cast %mul3A_11 : i32 to index
      %get3A_972 = tpu.vector_load %arg5[%get3A_970, %get3A_971] {strides = array<i32>} : memref<64x1024xi32, #tpu.memory_space<vmem>>, vector<16xi32>,
      %max3A_973 = arith.maxsi %max3A_953, %get3A_972 : vector<16xi32>
      %min3A_974 = arith.minsi %max3A_953, %get3A_972 : vector<16xi32>
      %max3A_975 = arith.maxsi %max3A_955, %min3A_974 : vector<16xi32>
      %min3A_976 = arith.minsi %max3A_955, %min3A_974 : vector<16xi32>
      %max3A_977 = arith.maxsi %max3A_957, %min3A_976 : vector<16xi32>
      %min3A_978 = arith.minsi %max3A_957, %min3A_976 : vector<16xi32>
      %max3A_979 = arith.maxsi %max3A_959, %min3A_978 : vector<16xi32>
      %min3A_980 = arith.minsi %max3A_959, %min3A_978 : vector<16xi32>
      %max3A_981 = arith.maxsi %max3A_961, %min3A_980 : vector<16xi32>
      %min3A_982 = arith.minsi %max3A_961, %min3A_980 : vector<16xi32>
      %max3A_983 = arith.maxsi %max3A_963, %min3A_982 : vector<16xi32>
      %min3A_984 = arith.minsi %max3A_963, %min3A_982 : vector<16xi32>
      %max3A_985 = arith.maxsi %max3A_965, %min3A_984 : vector<16xi32>
      %min3A_986 = arith.minsi %max3A_965, %min3A_984 : vector<16xi32>
      %max3A_987 = arith.maxsi %max3A_967, %min3A_986 : vector<16xi32>
      %min3A_988 = arith.minsi %max3A_967, %min3A_986 : vector<16xi32>
      %get3A_989 = arith.constant 49 : i32
      %get3A_990 = arith.index_cast %get3A_989 : i32 to index
      %get3A_991 = arith.index_cast %mul3A_11 : i32 to index
      %get3A_992 = tpu.vector_load %arg5[%get3A_990, %get3A_991] {strides = array<i32>} : memref<64x1024xi32, #tpu.memory_space<vmem>>, vector<16xi32>,
      %max3A_993 = arith.maxsi %max3A_973, %get3A_992 : vector<16xi32>
      %min3A_994 = arith.minsi %max3A_973, %get3A_992 : vector<16xi32>
      %max3A_995 = arith.maxsi %max3A_975, %min3A_994 : vector<16xi32>
      %min3A_996 = arith.minsi %max3A_975, %min3A_994 : vector<16xi32>
      %max3A_997 = arith.maxsi %max3A_977, %min3A_996 : vector<16xi32>
      %min3A_998 = arith.minsi %max3A_977, %min3A_996 : vector<16xi32>
      %max3A_999 = arith.maxsi %max3A_979, %min3A_998 : vector<16xi32>
      %min3A_1000 = arith.minsi %max3A_979, %min3A_998 : vector<16xi32>
      %max3A_1001 = arith.maxsi %max3A_981, %min3A_1000 : vector<16xi32>
      %min3A_1002 = arith.minsi %max3A_981, %min3A_1000 : vector<16xi32>
      %max3A_1003 = arith.maxsi %max3A_983, %min3A_1002 : vector<16xi32>
      %min3A_1004 = arith.minsi %max3A_983, %min3A_1002 : vector<16xi32>
      %max3A_1005 = arith.maxsi %max3A_985, %min3A_1004 : vector<16xi32>
      %min3A_1006 = arith.minsi %max3A_985, %min3A_1004 : vector<16xi32>
      %max3A_1007 = arith.maxsi %max3A_987, %min3A_1006 : vector<16xi32>
      %min3A_1008 = arith.minsi %max3A_987, %min3A_1006 : vector<16xi32>
      %get3A_1009 = arith.constant 50 : i32
      %get3A_1010 = arith.index_cast %get3A_1009 : i32 to index
      %get3A_1011 = arith.index_cast %mul3A_11 : i32 to index
      %get3A_1012 = tpu.vector_load %arg5[%get3A_1010, %get3A_1011] {strides = array<i32>} : memref<64x1024xi32, #tpu.memory_space<vmem>>, vector<16xi32>,
      %max3A_1013 = arith.maxsi %max3A_993, %get3A_1012 : vector<16xi32>
      %min3A_1014 = arith.minsi %max3A_993, %get3A_1012 : vector<16xi32>
      %max3A_1015 = arith.maxsi %max3A_995, %min3A_1014 : vector<16xi32>
      %min3A_1016 = arith.minsi %max3A_995, %min3A_1014 : vector<16xi32>
      %max3A_1017 = arith.maxsi %max3A_997, %min3A_1016 : vector<16xi32>
      %min3A_1018 = arith.minsi %max3A_997, %min3A_1016 : vector<16xi32>
      %max3A_1019 = arith.maxsi %max3A_999, %min3A_1018 : vector<16xi32>
      %min3A_1020 = arith.minsi %max3A_999, %min3A_1018 : vector<16xi32>
      %max3A_1021 = arith.maxsi %max3A_1001, %min3A_1020 : vector<16xi32>
      %min3A_1022 = arith.minsi %max3A_1001, %min3A_1020 : vector<16xi32>
      %max3A_1023 = arith.maxsi %max3A_1003, %min3A_1022 : vector<16xi32>
      %min3A_1024 = arith.minsi %max3A_1003, %min3A_1022 : vector<16xi32>
      %max3A_1025 = arith.maxsi %max3A_1005, %min3A_1024 : vector<16xi32>
      %min3A_1026 = arith.minsi %max3A_1005, %min3A_1024 : vector<16xi32>
      %max3A_1027 = arith.maxsi %max3A_1007, %min3A_1026 : vector<16xi32>
      %min3A_1028 = arith.minsi %max3A_1007, %min3A_1026 : vector<16xi32>
      %get3A_1029 = arith.constant 51 : i32
      %get3A_1030 = arith.index_cast %get3A_1029 : i32 to index
      %get3A_1031 = arith.index_cast %mul3A_11 : i32 to index
      %get3A_1032 = tpu.vector_load %arg5[%get3A_1030, %get3A_1031] {strides = array<i32>} : memref<64x1024xi32, #tpu.memory_space<vmem>>, vector<16xi32>,
      %max3A_1033 = arith.maxsi %max3A_1013, %get3A_1032 : vector<16xi32>
      %min3A_1034 = arith.minsi %max3A_1013, %get3A_1032 : vector<16xi32>
      %max3A_1035 = arith.maxsi %max3A_1015, %min3A_1034 : vector<16xi32>
      %min3A_1036 = arith.minsi %max3A_1015, %min3A_1034 : vector<16xi32>
      %max3A_1037 = arith.maxsi %max3A_1017, %min3A_1036 : vector<16xi32>
      %min3A_1038 = arith.minsi %max3A_1017, %min3A_1036 : vector<16xi32>
      %max3A_1039 = arith.maxsi %max3A_1019, %min3A_1038 : vector<16xi32>
      %min3A_1040 = arith.minsi %max3A_1019, %min3A_1038 : vector<16xi32>
      %max3A_1041 = arith.maxsi %max3A_1021, %min3A_1040 : vector<16xi32>
      %min3A_1042 = arith.minsi %max3A_1021, %min3A_1040 : vector<16xi32>
      %max3A_1043 = arith.maxsi %max3A_1023, %min3A_1042 : vector<16xi32>
      %min3A_1044 = arith.minsi %max3A_1023, %min3A_1042 : vector<16xi32>
      %max3A_1045 = arith.maxsi %max3A_1025, %min3A_1044 : vector<16xi32>
      %min3A_1046 = arith.minsi %max3A_1025, %min3A_1044 : vector<16xi32>
      %max3A_1047 = arith.maxsi %max3A_1027, %min3A_1046 : vector<16xi32>
      %min3A_1048 = arith.minsi %max3A_1027, %min3A_1046 : vector<16xi32>
      %get3A_1049 = arith.constant 52 : i32
      %get3A_1050 = arith.index_cast %get3A_1049 : i32 to index
      %get3A_1051 = arith.index_cast %mul3A_11 : i32 to index
      %get3A_1052 = tpu.vector_load %arg5[%get3A_1050, %get3A_1051] {strides = array<i32>} : memref<64x1024xi32, #tpu.memory_space<vmem>>, vector<16xi32>,
      %max3A_1053 = arith.maxsi %max3A_1033, %get3A_1052 : vector<16xi32>
      %min3A_1054 = arith.minsi %max3A_1033, %get3A_1052 : vector<16xi32>
      %max3A_1055 = arith.maxsi %max3A_1035, %min3A_1054 : vector<16xi32>
      %min3A_1056 = arith.minsi %max3A_1035, %min3A_1054 : vector<16xi32>
      %max3A_1057 = arith.maxsi %max3A_1037, %min3A_1056 : vector<16xi32>
      %min3A_1058 = arith.minsi %max3A_1037, %min3A_1056 : vector<16xi32>
      %max3A_1059 = arith.maxsi %max3A_1039, %min3A_1058 : vector<16xi32>
      %min3A_1060 = arith.minsi %max3A_1039, %min3A_1058 : vector<16xi32>
      %max3A_1061 = arith.maxsi %max3A_1041, %min3A_1060 : vector<16xi32>
      %min3A_1062 = arith.minsi %max3A_1041, %min3A_1060 : vector<16xi32>
      %max3A_1063 = arith.maxsi %max3A_1043, %min3A_1062 : vector<16xi32>
      %min3A_1064 = arith.minsi %max3A_1043, %min3A_1062 : vector<16xi32>
      %max3A_1065 = arith.maxsi %max3A_1045, %min3A_1064 : vector<16xi32>
      %min3A_1066 = arith.minsi %max3A_1045, %min3A_1064 : vector<16xi32>
      %max3A_1067 = arith.maxsi %max3A_1047, %min3A_1066 : vector<16xi32>
      %min3A_1068 = arith.minsi %max3A_1047, %min3A_1066 : vector<16xi32>
      %get3A_1069 = arith.constant 53 : i32
      %get3A_1070 = arith.index_cast %get3A_1069 : i32 to index
      %get3A_1071 = arith.index_cast %mul3A_11 : i32 to index
      %get3A_1072 = tpu.vector_load %arg5[%get3A_1070, %get3A_1071] {strides = array<i32>} : memref<64x1024xi32, #tpu.memory_space<vmem>>, vector<16xi32>,
      %max3A_1073 = arith.maxsi %max3A_1053, %get3A_1072 : vector<16xi32>
      %min3A_1074 = arith.minsi %max3A_1053, %get3A_1072 : vector<16xi32>
      %max3A_1075 = arith.maxsi %max3A_1055, %min3A_1074 : vector<16xi32>
      %min3A_1076 = arith.minsi %max3A_1055, %min3A_1074 : vector<16xi32>
      %max3A_1077 = arith.maxsi %max3A_1057, %min3A_1076 : vector<16xi32>
      %min3A_1078 = arith.minsi %max3A_1057, %min3A_1076 : vector<16xi32>
      %max3A_1079 = arith.maxsi %max3A_1059, %min3A_1078 : vector<16xi32>
      %min3A_1080 = arith.minsi %max3A_1059, %min3A_1078 : vector<16xi32>
      %max3A_1081 = arith.maxsi %max3A_1061, %min3A_1080 : vector<16xi32>
      %min3A_1082 = arith.minsi %max3A_1061, %min3A_1080 : vector<16xi32>
      %max3A_1083 = arith.maxsi %max3A_1063, %min3A_1082 : vector<16xi32>
      %min3A_1084 = arith.minsi %max3A_1063, %min3A_1082 : vector<16xi32>
      %max3A_1085 = arith.maxsi %max3A_1065, %min3A_1084 : vector<16xi32>
      %min3A_1086 = arith.minsi %max3A_1065, %min3A_1084 : vector<16xi32>
      %max3A_1087 = arith.maxsi %max3A_1067, %min3A_1086 : vector<16xi32>
      %min3A_1088 = arith.minsi %max3A_1067, %min3A_1086 : vector<16xi32>
      %get3A_1089 = arith.constant 54 : i32
      %get3A_1090 = arith.index_cast %get3A_1089 : i32 to index
      %get3A_1091 = arith.index_cast %mul3A_11 : i32 to index
      %get3A_1092 = tpu.vector_load %arg5[%get3A_1090, %get3A_1091] {strides = array<i32>} : memref<64x1024xi32, #tpu.memory_space<vmem>>, vector<16xi32>,
      %max3A_1093 = arith.maxsi %max3A_1073, %get3A_1092 : vector<16xi32>
      %min3A_1094 = arith.minsi %max3A_1073, %get3A_1092 : vector<16xi32>
      %max3A_1095 = arith.maxsi %max3A_1075, %min3A_1094 : vector<16xi32>
      %min3A_1096 = arith.minsi %max3A_1075, %min3A_1094 : vector<16xi32>
      %max3A_1097 = arith.maxsi %max3A_1077, %min3A_1096 : vector<16xi32>
      %min3A_1098 = arith.minsi %max3A_1077, %min3A_1096 : vector<16xi32>
      %max3A_1099 = arith.maxsi %max3A_1079, %min3A_1098 : vector<16xi32>
      %min3A_1100 = arith.minsi %max3A_1079, %min3A_1098 : vector<16xi32>
      %max3A_1101 = arith.maxsi %max3A_1081, %min3A_1100 : vector<16xi32>
      %min3A_1102 = arith.minsi %max3A_1081, %min3A_1100 : vector<16xi32>
      %max3A_1103 = arith.maxsi %max3A_1083, %min3A_1102 : vector<16xi32>
      %min3A_1104 = arith.minsi %max3A_1083, %min3A_1102 : vector<16xi32>
      %max3A_1105 = arith.maxsi %max3A_1085, %min3A_1104 : vector<16xi32>
      %min3A_1106 = arith.minsi %max3A_1085, %min3A_1104 : vector<16xi32>
      %max3A_1107 = arith.maxsi %max3A_1087, %min3A_1106 : vector<16xi32>
      %min3A_1108 = arith.minsi %max3A_1087, %min3A_1106 : vector<16xi32>
      %get3A_1109 = arith.constant 55 : i32
      %get3A_1110 = arith.index_cast %get3A_1109 : i32 to index
      %get3A_1111 = arith.index_cast %mul3A_11 : i32 to index
      %get3A_1112 = tpu.vector_load %arg5[%get3A_1110, %get3A_1111] {strides = array<i32>} : memref<64x1024xi32, #tpu.memory_space<vmem>>, vector<16xi32>,
      %max3A_1113 = arith.maxsi %max3A_1093, %get3A_1112 : vector<16xi32>
      %min3A_1114 = arith.minsi %max3A_1093, %get3A_1112 : vector<16xi32>
      %max3A_1115 = arith.maxsi %max3A_1095, %min3A_1114 : vector<16xi32>
      %min3A_1116 = arith.minsi %max3A_1095, %min3A_1114 : vector<16xi32>
      %max3A_1117 = arith.maxsi %max3A_1097, %min3A_1116 : vector<16xi32>
      %min3A_1118 = arith.minsi %max3A_1097, %min3A_1116 : vector<16xi32>
      %max3A_1119 = arith.maxsi %max3A_1099, %min3A_1118 : vector<16xi32>
      %min3A_1120 = arith.minsi %max3A_1099, %min3A_1118 : vector<16xi32>
      %max3A_1121 = arith.maxsi %max3A_1101, %min3A_1120 : vector<16xi32>
      %min3A_1122 = arith.minsi %max3A_1101, %min3A_1120 : vector<16xi32>
      %max3A_1123 = arith.maxsi %max3A_1103, %min3A_1122 : vector<16xi32>
      %min3A_1124 = arith.minsi %max3A_1103, %min3A_1122 : vector<16xi32>
      %max3A_1125 = arith.maxsi %max3A_1105, %min3A_1124 : vector<16xi32>
      %min3A_1126 = arith.minsi %max3A_1105, %min3A_1124 : vector<16xi32>
      %max3A_1127 = arith.maxsi %max3A_1107, %min3A_1126 : vector<16xi32>
      %min3A_1128 = arith.minsi %max3A_1107, %min3A_1126 : vector<16xi32>
      %get3A_1129 = arith.constant 56 : i32
      %get3A_1130 = arith.index_cast %get3A_1129 : i32 to index
      %get3A_1131 = arith.index_cast %mul3A_11 : i32 to index
      %get3A_1132 = tpu.vector_load %arg5[%get3A_1130, %get3A_1131] {strides = array<i32>} : memref<64x1024xi32, #tpu.memory_space<vmem>>, vector<16xi32>,
      %max3A_1133 = arith.maxsi %max3A_1113, %get3A_1132 : vector<16xi32>
      %min3A_1134 = arith.minsi %max3A_1113, %get3A_1132 : vector<16xi32>
      %max3A_1135 = arith.maxsi %max3A_1115, %min3A_1134 : vector<16xi32>
      %min3A_1136 = arith.minsi %max3A_1115, %min3A_1134 : vector<16xi32>
      %max3A_1137 = arith.maxsi %max3A_1117, %min3A_1136 : vector<16xi32>
      %min3A_1138 = arith.minsi %max3A_1117, %min3A_1136 : vector<16xi32>
      %max3A_1139 = arith.maxsi %max3A_1119, %min3A_1138 : vector<16xi32>
      %min3A_1140 = arith.minsi %max3A_1119, %min3A_1138 : vector<16xi32>
      %max3A_1141 = arith.maxsi %max3A_1121, %min3A_1140 : vector<16xi32>
      %min3A_1142 = arith.minsi %max3A_1121, %min3A_1140 : vector<16xi32>
      %max3A_1143 = arith.maxsi %max3A_1123, %min3A_1142 : vector<16xi32>
      %min3A_1144 = arith.minsi %max3A_1123, %min3A_1142 : vector<16xi32>
      %max3A_1145 = arith.maxsi %max3A_1125, %min3A_1144 : vector<16xi32>
      %min3A_1146 = arith.minsi %max3A_1125, %min3A_1144 : vector<16xi32>
      %max3A_1147 = arith.maxsi %max3A_1127, %min3A_1146 : vector<16xi32>
      %min3A_1148 = arith.minsi %max3A_1127, %min3A_1146 : vector<16xi32>
      %get3A_1149 = arith.constant 57 : i32
      %get3A_1150 = arith.index_cast %get3A_1149 : i32 to index
      %get3A_1151 = arith.index_cast %mul3A_11 : i32 to index
      %get3A_1152 = tpu.vector_load %arg5[%get3A_1150, %get3A_1151] {strides = array<i32>} : memref<64x1024xi32, #tpu.memory_space<vmem>>, vector<16xi32>,
      %max3A_1153 = arith.maxsi %max3A_1133, %get3A_1152 : vector<16xi32>
      %min3A_1154 = arith.minsi %max3A_1133, %get3A_1152 : vector<16xi32>
      %max3A_1155 = arith.maxsi %max3A_1135, %min3A_1154 : vector<16xi32>
      %min3A_1156 = arith.minsi %max3A_1135, %min3A_1154 : vector<16xi32>
      %max3A_1157 = arith.maxsi %max3A_1137, %min3A_1156 : vector<16xi32>
      %min3A_1158 = arith.minsi %max3A_1137, %min3A_1156 : vector<16xi32>
      %max3A_1159 = arith.maxsi %max3A_1139, %min3A_1158 : vector<16xi32>
      %min3A_1160 = arith.minsi %max3A_1139, %min3A_1158 : vector<16xi32>
      %max3A_1161 = arith.maxsi %max3A_1141, %min3A_1160 : vector<16xi32>
      %min3A_1162 = arith.minsi %max3A_1141, %min3A_1160 : vector<16xi32>
      %max3A_1163 = arith.maxsi %max3A_1143, %min3A_1162 : vector<16xi32>
      %min3A_1164 = arith.minsi %max3A_1143, %min3A_1162 : vector<16xi32>
      %max3A_1165 = arith.maxsi %max3A_1145, %min3A_1164 : vector<16xi32>
      %min3A_1166 = arith.minsi %max3A_1145, %min3A_1164 : vector<16xi32>
      %max3A_1167 = arith.maxsi %max3A_1147, %min3A_1166 : vector<16xi32>
      %min3A_1168 = arith.minsi %max3A_1147, %min3A_1166 : vector<16xi32>
      %get3A_1169 = arith.constant 58 : i32
      %get3A_1170 = arith.index_cast %get3A_1169 : i32 to index
      %get3A_1171 = arith.index_cast %mul3A_11 : i32 to index
      %get3A_1172 = tpu.vector_load %arg5[%get3A_1170, %get3A_1171] {strides = array<i32>} : memref<64x1024xi32, #tpu.memory_space<vmem>>, vector<16xi32>,
      %max3A_1173 = arith.maxsi %max3A_1153, %get3A_1172 : vector<16xi32>
      %min3A_1174 = arith.minsi %max3A_1153, %get3A_1172 : vector<16xi32>
      %max3A_1175 = arith.maxsi %max3A_1155, %min3A_1174 : vector<16xi32>
      %min3A_1176 = arith.minsi %max3A_1155, %min3A_1174 : vector<16xi32>
      %max3A_1177 = arith.maxsi %max3A_1157, %min3A_1176 : vector<16xi32>
      %min3A_1178 = arith.minsi %max3A_1157, %min3A_1176 : vector<16xi32>
      %max3A_1179 = arith.maxsi %max3A_1159, %min3A_1178 : vector<16xi32>
      %min3A_1180 = arith.minsi %max3A_1159, %min3A_1178 : vector<16xi32>
      %max3A_1181 = arith.maxsi %max3A_1161, %min3A_1180 : vector<16xi32>
      %min3A_1182 = arith.minsi %max3A_1161, %min3A_1180 : vector<16xi32>
      %max3A_1183 = arith.maxsi %max3A_1163, %min3A_1182 : vector<16xi32>
      %min3A_1184 = arith.minsi %max3A_1163, %min3A_1182 : vector<16xi32>
      %max3A_1185 = arith.maxsi %max3A_1165, %min3A_1184 : vector<16xi32>
      %min3A_1186 = arith.minsi %max3A_1165, %min3A_1184 : vector<16xi32>
      %max3A_1187 = arith.maxsi %max3A_1167, %min3A_1186 : vector<16xi32>
      %min3A_1188 = arith.minsi %max3A_1167, %min3A_1186 : vector<16xi32>
      %get3A_1189 = arith.constant 59 : i32
      %get3A_1190 = arith.index_cast %get3A_1189 : i32 to index
      %get3A_1191 = arith.index_cast %mul3A_11 : i32 to index
      %get3A_1192 = tpu.vector_load %arg5[%get3A_1190, %get3A_1191] {strides = array<i32>} : memref<64x1024xi32, #tpu.memory_space<vmem>>, vector<16xi32>,
      %max3A_1193 = arith.maxsi %max3A_1173, %get3A_1192 : vector<16xi32>
      %min3A_1194 = arith.minsi %max3A_1173, %get3A_1192 : vector<16xi32>
      %max3A_1195 = arith.maxsi %max3A_1175, %min3A_1194 : vector<16xi32>
      %min3A_1196 = arith.minsi %max3A_1175, %min3A_1194 : vector<16xi32>
      %max3A_1197 = arith.maxsi %max3A_1177, %min3A_1196 : vector<16xi32>
      %min3A_1198 = arith.minsi %max3A_1177, %min3A_1196 : vector<16xi32>
      %max3A_1199 = arith.maxsi %max3A_1179, %min3A_1198 : vector<16xi32>
      %min3A_1200 = arith.minsi %max3A_1179, %min3A_1198 : vector<16xi32>
      %max3A_1201 = arith.maxsi %max3A_1181, %min3A_1200 : vector<16xi32>
      %min3A_1202 = arith.minsi %max3A_1181, %min3A_1200 : vector<16xi32>
      %max3A_1203 = arith.maxsi %max3A_1183, %min3A_1202 : vector<16xi32>
      %min3A_1204 = arith.minsi %max3A_1183, %min3A_1202 : vector<16xi32>
      %max3A_1205 = arith.maxsi %max3A_1185, %min3A_1204 : vector<16xi32>
      %min3A_1206 = arith.minsi %max3A_1185, %min3A_1204 : vector<16xi32>
      %max3A_1207 = arith.maxsi %max3A_1187, %min3A_1206 : vector<16xi32>
      %min3A_1208 = arith.minsi %max3A_1187, %min3A_1206 : vector<16xi32>
      %get3A_1209 = arith.constant 60 : i32
      %get3A_1210 = arith.index_cast %get3A_1209 : i32 to index
      %get3A_1211 = arith.index_cast %mul3A_11 : i32 to index
      %get3A_1212 = tpu.vector_load %arg5[%get3A_1210, %get3A_1211] {strides = array<i32>} : memref<64x1024xi32, #tpu.memory_space<vmem>>, vector<16xi32>,
      %max3A_1213 = arith.maxsi %max3A_1193, %get3A_1212 : vector<16xi32>
      %min3A_1214 = arith.minsi %max3A_1193, %get3A_1212 : vector<16xi32>
      %max3A_1215 = arith.maxsi %max3A_1195, %min3A_1214 : vector<16xi32>
      %min3A_1216 = arith.minsi %max3A_1195, %min3A_1214 : vector<16xi32>
      %max3A_1217 = arith.maxsi %max3A_1197, %min3A_1216 : vector<16xi32>
      %min3A_1218 = arith.minsi %max3A_1197, %min3A_1216 : vector<16xi32>
      %max3A_1219 = arith.maxsi %max3A_1199, %min3A_1218 : vector<16xi32>
      %min3A_1220 = arith.minsi %max3A_1199, %min3A_1218 : vector<16xi32>
      %max3A_1221 = arith.maxsi %max3A_1201, %min3A_1220 : vector<16xi32>
      %min3A_1222 = arith.minsi %max3A_1201, %min3A_1220 : vector<16xi32>
      %max3A_1223 = arith.maxsi %max3A_1203, %min3A_1222 : vector<16xi32>
      %min3A_1224 = arith.minsi %max3A_1203, %min3A_1222 : vector<16xi32>
      %max3A_1225 = arith.maxsi %max3A_1205, %min3A_1224 : vector<16xi32>
      %min3A_1226 = arith.minsi %max3A_1205, %min3A_1224 : vector<16xi32>
      %max3A_1227 = arith.maxsi %max3A_1207, %min3A_1226 : vector<16xi32>
      %min3A_1228 = arith.minsi %max3A_1207, %min3A_1226 : vector<16xi32>
      %get3A_1229 = arith.constant 61 : i32
      %get3A_1230 = arith.index_cast %get3A_1229 : i32 to index
      %get3A_1231 = arith.index_cast %mul3A_11 : i32 to index
      %get3A_1232 = tpu.vector_load %arg5[%get3A_1230, %get3A_1231] {strides = array<i32>} : memref<64x1024xi32, #tpu.memory_space<vmem>>, vector<16xi32>,
      %max3A_1233 = arith.maxsi %max3A_1213, %get3A_1232 : vector<16xi32>
      %min3A_1234 = arith.minsi %max3A_1213, %get3A_1232 : vector<16xi32>
      %max3A_1235 = arith.maxsi %max3A_1215, %min3A_1234 : vector<16xi32>
      %min3A_1236 = arith.minsi %max3A_1215, %min3A_1234 : vector<16xi32>
      %max3A_1237 = arith.maxsi %max3A_1217, %min3A_1236 : vector<16xi32>
      %min3A_1238 = arith.minsi %max3A_1217, %min3A_1236 : vector<16xi32>
      %max3A_1239 = arith.maxsi %max3A_1219, %min3A_1238 : vector<16xi32>
      %min3A_1240 = arith.minsi %max3A_1219, %min3A_1238 : vector<16xi32>
      %max3A_1241 = arith.maxsi %max3A_1221, %min3A_1240 : vector<16xi32>
      %min3A_1242 = arith.minsi %max3A_1221, %min3A_1240 : vector<16xi32>
      %max3A_1243 = arith.maxsi %max3A_1223, %min3A_1242 : vector<16xi32>
      %min3A_1244 = arith.minsi %max3A_1223, %min3A_1242 : vector<16xi32>
      %max3A_1245 = arith.maxsi %max3A_1225, %min3A_1244 : vector<16xi32>
      %min3A_1246 = arith.minsi %max3A_1225, %min3A_1244 : vector<16xi32>
      %max3A_1247 = arith.maxsi %max3A_1227, %min3A_1246 : vector<16xi32>
      %min3A_1248 = arith.minsi %max3A_1227, %min3A_1246 : vector<16xi32>
      %get3A_1249 = arith.constant 62 : i32
      %get3A_1250 = arith.index_cast %get3A_1249 : i32 to index
      %get3A_1251 = arith.index_cast %mul3A_11 : i32 to index
      %get3A_1252 = tpu.vector_load %arg5[%get3A_1250, %get3A_1251] {strides = array<i32>} : memref<64x1024xi32, #tpu.memory_space<vmem>>, vector<16xi32>,
      %max3A_1253 = arith.maxsi %max3A_1233, %get3A_1252 : vector<16xi32>
      %min3A_1254 = arith.minsi %max3A_1233, %get3A_1252 : vector<16xi32>
      %max3A_1255 = arith.maxsi %max3A_1235, %min3A_1254 : vector<16xi32>
      %min3A_1256 = arith.minsi %max3A_1235, %min3A_1254 : vector<16xi32>
      %max3A_1257 = arith.maxsi %max3A_1237, %min3A_1256 : vector<16xi32>
      %min3A_1258 = arith.minsi %max3A_1237, %min3A_1256 : vector<16xi32>
      %max3A_1259 = arith.maxsi %max3A_1239, %min3A_1258 : vector<16xi32>
      %min3A_1260 = arith.minsi %max3A_1239, %min3A_1258 : vector<16xi32>
      %max3A_1261 = arith.maxsi %max3A_1241, %min3A_1260 : vector<16xi32>
      %min3A_1262 = arith.minsi %max3A_1241, %min3A_1260 : vector<16xi32>
      %max3A_1263 = arith.maxsi %max3A_1243, %min3A_1262 : vector<16xi32>
      %min3A_1264 = arith.minsi %max3A_1243, %min3A_1262 : vector<16xi32>
      %max3A_1265 = arith.maxsi %max3A_1245, %min3A_1264 : vector<16xi32>
      %min3A_1266 = arith.minsi %max3A_1245, %min3A_1264 : vector<16xi32>
      %max3A_1267 = arith.maxsi %max3A_1247, %min3A_1266 : vector<16xi32>
      %min3A_1268 = arith.minsi %max3A_1247, %min3A_1266 : vector<16xi32>
      %get3A_1269 = arith.constant 63 : i32
      %get3A_1270 = arith.index_cast %get3A_1269 : i32 to index
      %get3A_1271 = arith.index_cast %mul3A_11 : i32 to index
      %get3A_1272 = tpu.vector_load %arg5[%get3A_1270, %get3A_1271] {strides = array<i32>} : memref<64x1024xi32, #tpu.memory_space<vmem>>, vector<16xi32>,
      %max3A_1273 = arith.maxsi %max3A_1253, %get3A_1272 : vector<16xi32>
      %min3A_1274 = arith.minsi %max3A_1253, %get3A_1272 : vector<16xi32>
      %max3A_1275 = arith.maxsi %max3A_1255, %min3A_1274 : vector<16xi32>
      %min3A_1276 = arith.minsi %max3A_1255, %min3A_1274 : vector<16xi32>
      %max3A_1277 = arith.maxsi %max3A_1257, %min3A_1276 : vector<16xi32>
      %min3A_1278 = arith.minsi %max3A_1257, %min3A_1276 : vector<16xi32>
      %max3A_1279 = arith.maxsi %max3A_1259, %min3A_1278 : vector<16xi32>
      %min3A_1280 = arith.minsi %max3A_1259, %min3A_1278 : vector<16xi32>
      %max3A_1281 = arith.maxsi %max3A_1261, %min3A_1280 : vector<16xi32>
      %min3A_1282 = arith.minsi %max3A_1261, %min3A_1280 : vector<16xi32>
      %max3A_1283 = arith.maxsi %max3A_1263, %min3A_1282 : vector<16xi32>
      %min3A_1284 = arith.minsi %max3A_1263, %min3A_1282 : vector<16xi32>
      %max3A_1285 = arith.maxsi %max3A_1265, %min3A_1284 : vector<16xi32>
      %min3A_1286 = arith.minsi %max3A_1265, %min3A_1284 : vector<16xi32>
      %max3A_1287 = arith.maxsi %max3A_1267, %min3A_1286 : vector<16xi32>
      %min3A_1288 = arith.minsi %max3A_1267, %min3A_1286 : vector<16xi32>
      %shift_right_arithmetic3A = arith.constant 31 : i32
      %shift_right_arithmetic3A_1289 = vector.broadcast %shift_right_arithmetic3A : i32 to vector<16xi32>
      %shift_right_arithmetic3A_1290 = arith.shrsi %max3A_1273, %shift_right_arithmetic3A_1289 : vector<16xi32>
      %and3A = arith.constant 2147483647 : i32
      %and3A_1291 = vector.broadcast %and3A : i32 to vector<16xi32>
      %and3A_1292 = arith.andi %shift_right_arithmetic3A_1290, %and3A_1291 : vector<16xi32>
      %xor3A = arith.xori %max3A_1273, %and3A_1292 : vector<16xi32>
      %bitcast_convert_type3A = tpu.bitcast %xor3A : vector<16xi32> -> vector<16xf32>
      %shift_right_arithmetic3A_1293 = arith.constant 31 : i32
      %shift_right_arithmetic3A_1294 = vector.broadcast %shift_right_arithmetic3A_1293 : i32 to vector<16xi32>
      %shift_right_arithmetic3A_1295 = arith.shrsi %max3A_1275, %shift_right_arithmetic3A_1294 : vector<16xi32>
      %and3A_1296 = arith.constant 2147483647 : i32
      %and3A_1297 = vector.broadcast %and3A_1296 : i32 to vector<16xi32>
      %and3A_1298 = arith.andi %shift_right_arithmetic3A_1295, %and3A_1297 : vector<16xi32>
      %xor3A_1299 = arith.xori %max3A_1275, %and3A_1298 : vector<16xi32>
      %bitcast_convert_type3A_1300 = tpu.bitcast %xor3A_1299 : vector<16xi32> -> vector<16xf32>
      %shift_right_arithmetic3A_1301 = arith.constant 31 : i32
      %shift_right_arithmetic3A_1302 = vector.broadcast %shift_right_arithmetic3A_1301 : i32 to vector<16xi32>
      %shift_right_arithmetic3A_1303 = arith.shrsi %max3A_1277, %shift_right_arithmetic3A_1302 : vector<16xi32>
      %and3A_1304 = arith.constant 2147483647 : i32
      %and3A_1305 = vector.broadcast %and3A_1304 : i32 to vector<16xi32>
      %and3A_1306 = arith.andi %shift_right_arithmetic3A_1303, %and3A_1305 : vector<16xi32>
      %xor3A_1307 = arith.xori %max3A_1277, %and3A_1306 : vector<16xi32>
      %bitcast_convert_type3A_1308 = tpu.bitcast %xor3A_1307 : vector<16xi32> -> vector<16xf32>
      %shift_right_arithmetic3A_1309 = arith.constant 31 : i32
      %shift_right_arithmetic3A_1310 = vector.broadcast %shift_right_arithmetic3A_1309 : i32 to vector<16xi32>
      %shift_right_arithmetic3A_1311 = arith.shrsi %max3A_1279, %shift_right_arithmetic3A_1310 : vector<16xi32>
      %and3A_1312 = arith.constant 2147483647 : i32
      %and3A_1313 = vector.broadcast %and3A_1312 : i32 to vector<16xi32>
      %and3A_1314 = arith.andi %shift_right_arithmetic3A_1311, %and3A_1313 : vector<16xi32>
      %xor3A_1315 = arith.xori %max3A_1279, %and3A_1314 : vector<16xi32>
      %bitcast_convert_type3A_1316 = tpu.bitcast %xor3A_1315 : vector<16xi32> -> vector<16xf32>
      %shift_right_arithmetic3A_1317 = arith.constant 31 : i32
      %shift_right_arithmetic3A_1318 = vector.broadcast %shift_right_arithmetic3A_1317 : i32 to vector<16xi32>
      %shift_right_arithmetic3A_1319 = arith.shrsi %max3A_1281, %shift_right_arithmetic3A_1318 : vector<16xi32>
      %and3A_1320 = arith.constant 2147483647 : i32
      %and3A_1321 = vector.broadcast %and3A_1320 : i32 to vector<16xi32>
      %and3A_1322 = arith.andi %shift_right_arithmetic3A_1319, %and3A_1321 : vector<16xi32>
      %xor3A_1323 = arith.xori %max3A_1281, %and3A_1322 : vector<16xi32>
      %bitcast_convert_type3A_1324 = tpu.bitcast %xor3A_1323 : vector<16xi32> -> vector<16xf32>
      %shift_right_arithmetic3A_1325 = arith.constant 31 : i32
      %shift_right_arithmetic3A_1326 = vector.broadcast %shift_right_arithmetic3A_1325 : i32 to vector<16xi32>
      %shift_right_arithmetic3A_1327 = arith.shrsi %max3A_1283, %shift_right_arithmetic3A_1326 : vector<16xi32>
      %and3A_1328 = arith.constant 2147483647 : i32
      %and3A_1329 = vector.broadcast %and3A_1328 : i32 to vector<16xi32>
      %and3A_1330 = arith.andi %shift_right_arithmetic3A_1327, %and3A_1329 : vector<16xi32>
      %xor3A_1331 = arith.xori %max3A_1283, %and3A_1330 : vector<16xi32>
      %bitcast_convert_type3A_1332 = tpu.bitcast %xor3A_1331 : vector<16xi32> -> vector<16xf32>
      %shift_right_arithmetic3A_1333 = arith.constant 31 : i32
      %shift_right_arithmetic3A_1334 = vector.broadcast %shift_right_arithmetic3A_1333 : i32 to vector<16xi32>
      %shift_right_arithmetic3A_1335 = arith.shrsi %max3A_1285, %shift_right_arithmetic3A_1334 : vector<16xi32>
      %and3A_1336 = arith.constant 2147483647 : i32
      %and3A_1337 = vector.broadcast %and3A_1336 : i32 to vector<16xi32>
      %and3A_1338 = arith.andi %shift_right_arithmetic3A_1335, %and3A_1337 : vector<16xi32>
      %xor3A_1339 = arith.xori %max3A_1285, %and3A_1338 : vector<16xi32>
      %bitcast_convert_type3A_1340 = tpu.bitcast %xor3A_1339 : vector<16xi32> -> vector<16xf32>
      %shift_right_arithmetic3A_1341 = arith.constant 31 : i32
      %shift_right_arithmetic3A_1342 = vector.broadcast %shift_right_arithmetic3A_1341 : i32 to vector<16xi32>
      %shift_right_arithmetic3A_1343 = arith.shrsi %max3A_1287, %shift_right_arithmetic3A_1342 : vector<16xi32>
      %and3A_1344 = arith.constant 2147483647 : i32
      %and3A_1345 = vector.broadcast %and3A_1344 : i32 to vector<16xi32>
      %and3A_1346 = arith.andi %shift_right_arithmetic3A_1343, %and3A_1345 : vector<16xi32>
      %xor3A_1347 = arith.xori %max3A_1287, %and3A_1346 : vector<16xi32>
      %bitcast_convert_type3A_1348 = tpu.bitcast %xor3A_1347 : vector<16xi32> -> vector<16xf32>
      %sub3A = arith.subf %bitcast_convert_type3A, %bitcast_convert_type3A : vector<16xf32>
      %exp3A = math.exp %sub3A : vector<16xf32>
      %sub3A_1349 = arith.subf %bitcast_convert_type3A_1300, %bitcast_convert_type3A : vector<16xf32>
      %exp3A_1350 = math.exp %sub3A_1349 : vector<16xf32>
      %sub3A_1351 = arith.subf %bitcast_convert_type3A_1308, %bitcast_convert_type3A : vector<16xf32>
      %exp3A_1352 = math.exp %sub3A_1351 : vector<16xf32>
      %sub3A_1353 = arith.subf %bitcast_convert_type3A_1316, %bitcast_convert_type3A : vector<16xf32>
      %exp3A_1354 = math.exp %sub3A_1353 : vector<16xf32>
      %sub3A_1355 = arith.subf %bitcast_convert_type3A_1324, %bitcast_convert_type3A : vector<16xf32>
      %exp3A_1356 = math.exp %sub3A_1355 : vector<16xf32>
      %sub3A_1357 = arith.subf %bitcast_convert_type3A_1332, %bitcast_convert_type3A : vector<16xf32>
      %exp3A_1358 = math.exp %sub3A_1357 : vector<16xf32>
      %sub3A_1359 = arith.subf %bitcast_convert_type3A_1340, %bitcast_convert_type3A : vector<16xf32>
      %exp3A_1360 = math.exp %sub3A_1359 : vector<16xf32>
      %sub3A_1361 = arith.subf %bitcast_convert_type3A_1348, %bitcast_convert_type3A : vector<16xf32>
      %exp3A_1362 = math.exp %sub3A_1361 : vector<16xf32>
      %add3A_1363 = arith.addf %exp3A, %exp3A_1350 : vector<16xf32>
      %add3A_1364 = arith.addf %add3A_1363, %exp3A_1352 : vector<16xf32>
      %add3A_1365 = arith.addf %add3A_1364, %exp3A_1354 : vector<16xf32>
      %add3A_1366 = arith.addf %add3A_1365, %exp3A_1356 : vector<16xf32>
      %add3A_1367 = arith.addf %add3A_1366, %exp3A_1358 : vector<16xf32>
      %add3A_1368 = arith.addf %add3A_1367, %exp3A_1360 : vector<16xf32>
      %add3A_1369 = arith.addf %add3A_1368, %exp3A_1362 : vector<16xf32>
      %and3A_1370 = arith.constant 63 : i32
      %and3A_1371 = vector.broadcast %and3A_1370 : i32 to vector<16xi32>
      %and3A_1372 = arith.andi %max3A_1273, %and3A_1371 : vector<16xi32>
      %sub3A_1373 = arith.constant 63 : i32
      %sub3A_1374 = vector.broadcast %sub3A_1373 : i32 to vector<16xi32>
      %sub3A_1375 = arith.subi %sub3A_1374, %and3A_1372 : vector<16xi32>
      %swap3A = arith.constant 0 : i32
      %swap3A_1376 = arith.index_cast %swap3A : i32 to index
      %swap3A_1377 = arith.index_cast %mul3A_11 : i32 to index
      %swap3A_1378 = tpu.vector_load %arg6[%swap3A_1376, %swap3A_1377] {strides = array<i32>} : memref<8x1024xi32, #tpu.memory_space<vmem>>, vector<16xi32>,
      tpu.vector_store %arg6[%swap3A_1376, %swap3A_1377], %sub3A_1375 {strides = array<i32>} : memref<8x1024xi32, #tpu.memory_space<vmem>>, vector<16xi32>,
      %div3A = arith.divf %exp3A, %add3A_1369 : vector<16xf32>
      %swap3A_1379 = arith.constant 0 : i32
      %swap3A_1380 = arith.index_cast %swap3A_1379 : i32 to index
      %swap3A_1381 = arith.index_cast %mul3A_11 : i32 to index
      %swap3A_1382 = tpu.vector_load %arg7[%swap3A_1380, %swap3A_1381] {strides = array<i32>} : memref<8x1024xf32, #tpu.memory_space<vmem>>, vector<16xf32>,
      tpu.vector_store %arg7[%swap3A_1380, %swap3A_1381], %div3A {strides = array<i32>} : memref<8x1024xf32, #tpu.memory_space<vmem>>, vector<16xf32>,
      %and3A_1383 = arith.constant 63 : i32
      %and3A_1384 = vector.broadcast %and3A_1383 : i32 to vector<16xi32>
      %and3A_1385 = arith.andi %max3A_1275, %and3A_1384 : vector<16xi32>
      %sub3A_1386 = arith.constant 63 : i32
      %sub3A_1387 = vector.broadcast %sub3A_1386 : i32 to vector<16xi32>
      %sub3A_1388 = arith.subi %sub3A_1387, %and3A_1385 : vector<16xi32>
      %swap3A_1389 = arith.constant 1 : i32
      %swap3A_1390 = arith.index_cast %swap3A_1389 : i32 to index
      %swap3A_1391 = arith.index_cast %mul3A_11 : i32 to index
      %swap3A_1392 = tpu.vector_load %arg6[%swap3A_1390, %swap3A_1391] {strides = array<i32>} : memref<8x1024xi32, #tpu.memory_space<vmem>>, vector<16xi32>,
      tpu.vector_store %arg6[%swap3A_1390, %swap3A_1391], %sub3A_1388 {strides = array<i32>} : memref<8x1024xi32, #tpu.memory_space<vmem>>, vector<16xi32>,
      %div3A_1393 = arith.divf %exp3A_1350, %add3A_1369 : vector<16xf32>
      %swap3A_1394 = arith.constant 1 : i32
      %swap3A_1395 = arith.index_cast %swap3A_1394 : i32 to index
      %swap3A_1396 = arith.index_cast %mul3A_11 : i32 to index
      %swap3A_1397 = tpu.vector_load %arg7[%swap3A_1395, %swap3A_1396] {strides = array<i32>} : memref<8x1024xf32, #tpu.memory_space<vmem>>, vector<16xf32>,
      tpu.vector_store %arg7[%swap3A_1395, %swap3A_1396], %div3A_1393 {strides = array<i32>} : memref<8x1024xf32, #tpu.memory_space<vmem>>, vector<16xf32>,
      %and3A_1398 = arith.constant 63 : i32
      %and3A_1399 = vector.broadcast %and3A_1398 : i32 to vector<16xi32>
      %and3A_1400 = arith.andi %max3A_1277, %and3A_1399 : vector<16xi32>
      %sub3A_1401 = arith.constant 63 : i32
      %sub3A_1402 = vector.broadcast %sub3A_1401 : i32 to vector<16xi32>
      %sub3A_1403 = arith.subi %sub3A_1402, %and3A_1400 : vector<16xi32>
      %swap3A_1404 = arith.constant 2 : i32
      %swap3A_1405 = arith.index_cast %swap3A_1404 : i32 to index
      %swap3A_1406 = arith.index_cast %mul3A_11 : i32 to index
      %swap3A_1407 = tpu.vector_load %arg6[%swap3A_1405, %swap3A_1406] {strides = array<i32>} : memref<8x1024xi32, #tpu.memory_space<vmem>>, vector<16xi32>,
      tpu.vector_store %arg6[%swap3A_1405, %swap3A_1406], %sub3A_1403 {strides = array<i32>} : memref<8x1024xi32, #tpu.memory_space<vmem>>, vector<16xi32>,
      %div3A_1408 = arith.divf %exp3A_1352, %add3A_1369 : vector<16xf32>
      %swap3A_1409 = arith.constant 2 : i32
      %swap3A_1410 = arith.index_cast %swap3A_1409 : i32 to index
      %swap3A_1411 = arith.index_cast %mul3A_11 : i32 to index
      %swap3A_1412 = tpu.vector_load %arg7[%swap3A_1410, %swap3A_1411] {strides = array<i32>} : memref<8x1024xf32, #tpu.memory_space<vmem>>, vector<16xf32>,
      tpu.vector_store %arg7[%swap3A_1410, %swap3A_1411], %div3A_1408 {strides = array<i32>} : memref<8x1024xf32, #tpu.memory_space<vmem>>, vector<16xf32>,
      %and3A_1413 = arith.constant 63 : i32
      %and3A_1414 = vector.broadcast %and3A_1413 : i32 to vector<16xi32>
      %and3A_1415 = arith.andi %max3A_1279, %and3A_1414 : vector<16xi32>
      %sub3A_1416 = arith.constant 63 : i32
      %sub3A_1417 = vector.broadcast %sub3A_1416 : i32 to vector<16xi32>
      %sub3A_1418 = arith.subi %sub3A_1417, %and3A_1415 : vector<16xi32>
      %swap3A_1419 = arith.constant 3 : i32
      %swap3A_1420 = arith.index_cast %swap3A_1419 : i32 to index
      %swap3A_1421 = arith.index_cast %mul3A_11 : i32 to index
      %swap3A_1422 = tpu.vector_load %arg6[%swap3A_1420, %swap3A_1421] {strides = array<i32>} : memref<8x1024xi32, #tpu.memory_space<vmem>>, vector<16xi32>,
      tpu.vector_store %arg6[%swap3A_1420, %swap3A_1421], %sub3A_1418 {strides = array<i32>} : memref<8x1024xi32, #tpu.memory_space<vmem>>, vector<16xi32>,
      %div3A_1423 = arith.divf %exp3A_1354, %add3A_1369 : vector<16xf32>
      %swap3A_1424 = arith.constant 3 : i32
      %swap3A_1425 = arith.index_cast %swap3A_1424 : i32 to index
      %swap3A_1426 = arith.index_cast %mul3A_11 : i32 to index
      %swap3A_1427 = tpu.vector_load %arg7[%swap3A_1425, %swap3A_1426] {strides = array<i32>} : memref<8x1024xf32, #tpu.memory_space<vmem>>, vector<16xf32>,
      tpu.vector_store %arg7[%swap3A_1425, %swap3A_1426], %div3A_1423 {strides = array<i32>} : memref<8x1024xf32, #tpu.memory_space<vmem>>, vector<16xf32>,
      %and3A_1428 = arith.constant 63 : i32
      %and3A_1429 = vector.broadcast %and3A_1428 : i32 to vector<16xi32>
      %and3A_1430 = arith.andi %max3A_1281, %and3A_1429 : vector<16xi32>
      %sub3A_1431 = arith.constant 63 : i32
      %sub3A_1432 = vector.broadcast %sub3A_1431 : i32 to vector<16xi32>
      %sub3A_1433 = arith.subi %sub3A_1432, %and3A_1430 : vector<16xi32>
      %swap3A_1434 = arith.constant 4 : i32
      %swap3A_1435 = arith.index_cast %swap3A_1434 : i32 to index
      %swap3A_1436 = arith.index_cast %mul3A_11 : i32 to index
      %swap3A_1437 = tpu.vector_load %arg6[%swap3A_1435, %swap3A_1436] {strides = array<i32>} : memref<8x1024xi32, #tpu.memory_space<vmem>>, vector<16xi32>,
      tpu.vector_store %arg6[%swap3A_1435, %swap3A_1436], %sub3A_1433 {strides = array<i32>} : memref<8x1024xi32, #tpu.memory_space<vmem>>, vector<16xi32>,
      %div3A_1438 = arith.divf %exp3A_1356, %add3A_1369 : vector<16xf32>
      %swap3A_1439 = arith.constant 4 : i32
      %swap3A_1440 = arith.index_cast %swap3A_1439 : i32 to index
      %swap3A_1441 = arith.index_cast %mul3A_11 : i32 to index
      %swap3A_1442 = tpu.vector_load %arg7[%swap3A_1440, %swap3A_1441] {strides = array<i32>} : memref<8x1024xf32, #tpu.memory_space<vmem>>, vector<16xf32>,
      tpu.vector_store %arg7[%swap3A_1440, %swap3A_1441], %div3A_1438 {strides = array<i32>} : memref<8x1024xf32, #tpu.memory_space<vmem>>, vector<16xf32>,
      %and3A_1443 = arith.constant 63 : i32
      %and3A_1444 = vector.broadcast %and3A_1443 : i32 to vector<16xi32>
      %and3A_1445 = arith.andi %max3A_1283, %and3A_1444 : vector<16xi32>
      %sub3A_1446 = arith.constant 63 : i32
      %sub3A_1447 = vector.broadcast %sub3A_1446 : i32 to vector<16xi32>
      %sub3A_1448 = arith.subi %sub3A_1447, %and3A_1445 : vector<16xi32>
      %swap3A_1449 = arith.constant 5 : i32
      %swap3A_1450 = arith.index_cast %swap3A_1449 : i32 to index
      %swap3A_1451 = arith.index_cast %mul3A_11 : i32 to index
      %swap3A_1452 = tpu.vector_load %arg6[%swap3A_1450, %swap3A_1451] {strides = array<i32>} : memref<8x1024xi32, #tpu.memory_space<vmem>>, vector<16xi32>,
      tpu.vector_store %arg6[%swap3A_1450, %swap3A_1451], %sub3A_1448 {strides = array<i32>} : memref<8x1024xi32, #tpu.memory_space<vmem>>, vector<16xi32>,
      %div3A_1453 = arith.divf %exp3A_1358, %add3A_1369 : vector<16xf32>
      %swap3A_1454 = arith.constant 5 : i32
      %swap3A_1455 = arith.index_cast %swap3A_1454 : i32 to index
      %swap3A_1456 = arith.index_cast %mul3A_11 : i32 to index
      %swap3A_1457 = tpu.vector_load %arg7[%swap3A_1455, %swap3A_1456] {strides = array<i32>} : memref<8x1024xf32, #tpu.memory_space<vmem>>, vector<16xf32>,
      tpu.vector_store %arg7[%swap3A_1455, %swap3A_1456], %div3A_1453 {strides = array<i32>} : memref<8x1024xf32, #tpu.memory_space<vmem>>, vector<16xf32>,
      %and3A_1458 = arith.constant 63 : i32
      %and3A_1459 = vector.broadcast %and3A_1458 : i32 to vector<16xi32>
      %and3A_1460 = arith.andi %max3A_1285, %and3A_1459 : vector<16xi32>
      %sub3A_1461 = arith.constant 63 : i32
      %sub3A_1462 = vector.broadcast %sub3A_1461 : i32 to vector<16xi32>
      %sub3A_1463 = arith.subi %sub3A_1462, %and3A_1460 : vector<16xi32>
      %swap3A_1464 = arith.constant 6 : i32
      %swap3A_1465 = arith.index_cast %swap3A_1464 : i32 to index
      %swap3A_1466 = arith.index_cast %mul3A_11 : i32 to index
      %swap3A_1467 = tpu.vector_load %arg6[%swap3A_1465, %swap3A_1466] {strides = array<i32>} : memref<8x1024xi32, #tpu.memory_space<vmem>>, vector<16xi32>,
      tpu.vector_store %arg6[%swap3A_1465, %swap3A_1466], %sub3A_1463 {strides = array<i32>} : memref<8x1024xi32, #tpu.memory_space<vmem>>, vector<16xi32>,
      %div3A_1468 = arith.divf %exp3A_1360, %add3A_1369 : vector<16xf32>
      %swap3A_1469 = arith.constant 6 : i32
      %swap3A_1470 = arith.index_cast %swap3A_1469 : i32 to index
      %swap3A_1471 = arith.index_cast %mul3A_11 : i32 to index
      %swap3A_1472 = tpu.vector_load %arg7[%swap3A_1470, %swap3A_1471] {strides = array<i32>} : memref<8x1024xf32, #tpu.memory_space<vmem>>, vector<16xf32>,
      tpu.vector_store %arg7[%swap3A_1470, %swap3A_1471], %div3A_1468 {strides = array<i32>} : memref<8x1024xf32, #tpu.memory_space<vmem>>, vector<16xf32>,
      %and3A_1473 = arith.constant 63 : i32
      %and3A_1474 = vector.broadcast %and3A_1473 : i32 to vector<16xi32>
      %and3A_1475 = arith.andi %max3A_1287, %and3A_1474 : vector<16xi32>
      %sub3A_1476 = arith.constant 63 : i32
      %sub3A_1477 = vector.broadcast %sub3A_1476 : i32 to vector<16xi32>
      %sub3A_1478 = arith.subi %sub3A_1477, %and3A_1475 : vector<16xi32>
      %swap3A_1479 = arith.constant 7 : i32
      %swap3A_1480 = arith.index_cast %swap3A_1479 : i32 to index
      %swap3A_1481 = arith.index_cast %mul3A_11 : i32 to index
      %swap3A_1482 = tpu.vector_load %arg6[%swap3A_1480, %swap3A_1481] {strides = array<i32>} : memref<8x1024xi32, #tpu.memory_space<vmem>>, vector<16xi32>,
      tpu.vector_store %arg6[%swap3A_1480, %swap3A_1481], %sub3A_1478 {strides = array<i32>} : memref<8x1024xi32, #tpu.memory_space<vmem>>, vector<16xi32>,
      %div3A_1483 = arith.divf %exp3A_1362, %add3A_1369 : vector<16xf32>
      %swap3A_1484 = arith.constant 7 : i32
      %swap3A_1485 = arith.index_cast %swap3A_1484 : i32 to index
      %swap3A_1486 = arith.index_cast %mul3A_11 : i32 to index
      %swap3A_1487 = tpu.vector_load %arg7[%swap3A_1485, %swap3A_1486] {strides = array<i32>} : memref<8x1024xf32, #tpu.memory_space<vmem>>, vector<16xf32>,
      tpu.vector_store %arg7[%swap3A_1485, %swap3A_1486], %div3A_1483 {strides = array<i32>} : memref<8x1024xf32, #tpu.memory_space<vmem>>, vector<16xf32>,
    }
    %scan3A_8 = arith.constant 64 : i32
    "tpu.region"() ({
      %run_scoped3A = tpu.sem_alloc : memref<!tpu.dma_semaphore, #tpu.memory_space<semaphore_mem>>
      %dma_start3A = arith.constant 0 : i32
      %dma_start3A_9 = tpu.memref_slice %arg3[%dma_start3A, %mul3A_2] : memref<8x32768xi32, #tpu.memory_space<hbm>> -> memref<8x1024xi32, #tpu.memory_space<hbm>>
      %dma_start3A_10 = arith.constant 0 : i32
      %dma_start3A_11 = tpu.memref_slice %arg3[%dma_start3A_10, %mul3A_2] : memref<8x32768xi32, #tpu.memory_space<hbm>> -> memref<8x1024xi32, #tpu.memory_space<hbm>>
      tpu.enqueue_dma source(%arg6 : memref<8x1024xi32, #tpu.memory_space<vmem>>) target(%dma_start3A_11 : memref<8x1024xi32, #tpu.memory_space<hbm>>) target_semaphore(%run_scoped3A : memref<!tpu.dma_semaphore, #tpu.memory_space<semaphore_mem>>)
      %dma_wait3A = arith.constant 0 : i32
      %dma_wait3A_12 = tpu.memref_slice %arg3[%dma_wait3A, %mul3A_2] : memref<8x32768xi32, #tpu.memory_space<hbm>> -> memref<8x1024xi32, #tpu.memory_space<hbm>>
      %dma_wait3A_13 = arith.constant 0 : i32
      %dma_wait3A_14 = tpu.memref_slice %arg3[%dma_wait3A_13, %mul3A_2] : memref<8x32768xi32, #tpu.memory_space<hbm>> -> memref<8x1024xi32, #tpu.memory_space<hbm>>
      tpu.wait_dma2 semaphore(%run_scoped3A : memref<!tpu.dma_semaphore, #tpu.memory_space<semaphore_mem>>) src(%arg6 : memref<8x1024xi32, #tpu.memory_space<vmem>>) dst(%dma_wait3A_14 : memref<8x1024xi32, #tpu.memory_space<hbm>>)
      tpu.yield
    }) : () -> ()
    "tpu.region"() ({
      %run_scoped3A = tpu.sem_alloc : memref<!tpu.dma_semaphore, #tpu.memory_space<semaphore_mem>>
      %dma_start3A = arith.constant 0 : i32
      %dma_start3A_9 = tpu.memref_slice %arg4[%dma_start3A, %mul3A_2] : memref<8x32768xf32, #tpu.memory_space<hbm>> -> memref<8x1024xf32, #tpu.memory_space<hbm>>
      %dma_start3A_10 = arith.constant 0 : i32
      %dma_start3A_11 = tpu.memref_slice %arg4[%dma_start3A_10, %mul3A_2] : memref<8x32768xf32, #tpu.memory_space<hbm>> -> memref<8x1024xf32, #tpu.memory_space<hbm>>
      tpu.enqueue_dma source(%arg7 : memref<8x1024xf32, #tpu.memory_space<vmem>>) target(%dma_start3A_11 : memref<8x1024xf32, #tpu.memory_space<hbm>>) target_semaphore(%run_scoped3A : memref<!tpu.dma_semaphore, #tpu.memory_space<semaphore_mem>>)
      %dma_wait3A = arith.constant 0 : i32
      %dma_wait3A_12 = tpu.memref_slice %arg4[%dma_wait3A, %mul3A_2] : memref<8x32768xf32, #tpu.memory_space<hbm>> -> memref<8x1024xf32, #tpu.memory_space<hbm>>
      %dma_wait3A_13 = arith.constant 0 : i32
      %dma_wait3A_14 = tpu.memref_slice %arg4[%dma_wait3A_13, %mul3A_2] : memref<8x32768xf32, #tpu.memory_space<hbm>> -> memref<8x1024xf32, #tpu.memory_space<hbm>>
      tpu.wait_dma2 semaphore(%run_scoped3A : memref<!tpu.dma_semaphore, #tpu.memory_space<semaphore_mem>>) src(%arg7 : memref<8x1024xf32, #tpu.memory_space<vmem>>) dst(%dma_wait3A_14 : memref<8x1024xf32, #tpu.memory_space<hbm>>)
      tpu.yield
    }) : () -> ()
    return
  }
}

module attributes {stable_mosaic.version = 14 : i64} {
  func.func @_gate_body(%arg0: i32, %arg1: memref<4096x768xf32, #tpu.memory_space<vmem>>, %arg2: memref<768x64xf32, #tpu.memory_space<vmem>>, %arg3: memref<64x4096xi32, #tpu.memory_space<vmem>>) attributes {dimension_semantics = [#tpu.dimension_semantics<arbitrary>], iteration_bounds = array<i64: 8>, scalar_prefetch = 0 : i64, scratch_operands = 0 : i64, tpu.core_type = #tpu.core_type<tc>, window_params = [{transform_indices = @transform_0, window_bounds = array<i64: 4096, 768>}, {pipeline_mode = #tpu.pipeline_mode<synchronous>, transform_indices = @transform_1, window_bounds = array<i64: 768, 64>}, {transform_indices = @transform_2, window_bounds = array<i64: 64, 4096>}]} {
    %get3A = arith.constant 0 : index
    %get3A_0 = arith.constant 0 : index
    %get3A_1 = vector.load %arg1[%get3A, %get3A_0] : memref<4096x768xf32, #tpu.memory_space<vmem>>, vector<4096x768xf32>
    %get3A_2 = arith.constant 0 : index
    %get3A_3 = arith.constant 0 : index
    %get3A_4 = vector.load %arg2[%get3A_2, %get3A_3] : memref<768x64xf32, #tpu.memory_space<vmem>>, vector<768x64xf32>
    %dot_general3A = arith.constant dense<0.000000e+00> : vector<4096x64xf32>
    %dot_general3A_5 = tpu.matmul %get3A_1, %get3A_4, %dot_general3A {dimension_numbers = #tpu.dot_dimension_numbers<[1], [0], [0], [1], [0, 0, 1, 1], [], []>, transpose_lhs_hint = false} : vector<4096x768xf32>, vector<768x64xf32>, vector<4096x64xf32> -> vector<4096x64xf32>
    %transpose3A = tpu.transpose %dot_general3A_5, [1, 0] : vector<4096x64xf32> -> vector<64x4096xf32>
    %iota3A = tpu.iota {dimensions = array<i32: 0>} : vector<64x4096xi32>
    %bitcast_convert_type3A = tpu.bitcast %transpose3A : vector<64x4096xf32> -> vector<64x4096xi32>
    %shift_right_arithmetic3A = arith.constant 31 : i32
    %shift_right_arithmetic3A_6 = vector.broadcast %shift_right_arithmetic3A : i32 to vector<64x4096xi32>
    %shift_right_arithmetic3A_7 = arith.shrsi %bitcast_convert_type3A, %shift_right_arithmetic3A_6 : vector<64x4096xi32>
    %and3A = arith.constant 2147483647 : i32
    %and3A_8 = vector.broadcast %and3A : i32 to vector<64x4096xi32>
    %and3A_9 = arith.andi %shift_right_arithmetic3A_7, %and3A_8 : vector<64x4096xi32>
    %xor3A = arith.xori %bitcast_convert_type3A, %and3A_9 : vector<64x4096xi32>
    %and3A_10 = arith.constant -64 : i32
    %and3A_11 = vector.broadcast %and3A_10 : i32 to vector<64x4096xi32>
    %and3A_12 = arith.andi %xor3A, %and3A_11 : vector<64x4096xi32>
    %sub3A = arith.constant 63 : i32
    %sub3A_13 = vector.broadcast %sub3A : i32 to vector<64x4096xi32>
    %sub3A_14 = arith.subi %sub3A_13, %iota3A : vector<64x4096xi32>
    %or3A = arith.ori %and3A_12, %sub3A_14 : vector<64x4096xi32>
    %swap3A = arith.constant 0 : index
    %swap3A_15 = arith.constant 0 : index
    %swap3A_16 = vector.load %arg3[%swap3A, %swap3A_15] : memref<64x4096xi32, #tpu.memory_space<vmem>>, vector<64x4096xi32>
    tpu.vector_store %arg3[%swap3A, %swap3A_15], %or3A {strides = array<i32>} : memref<64x4096xi32, #tpu.memory_space<vmem>>, vector<64x4096xi32>,
    return
  }
  func.func @transform_0(%arg0: i32) -> (i32, i32) {
    %c0_i32 = arith.constant 0 : i32
    %c0_i32_0 = arith.constant 0 : i32
    return %arg0, %c0_i32 : i32, i32
  }
  func.func @transform_1(%arg0: i32) -> (i32, i32) {
    %c0_i32 = arith.constant 0 : i32
    %c0_i32_0 = arith.constant 0 : i32
    %c0_i32_1 = arith.constant 0 : i32
    return %c0_i32, %c0_i32_0 : i32, i32
  }
  func.func @transform_2(%arg0: i32) -> (i32, i32) {
    %c0_i32 = arith.constant 0 : i32
    %c0_i32_0 = arith.constant 0 : i32
    return %c0_i32, %arg0 : i32, i32
  }
}

</mosaic_0001>

<sc_bundles>
// kernel: kernel.4.cloned.1.call-start
scs
__scs_entry_jumppad:
0x0: {  	(pc) =	sbr.rel $0x88, $3  }
0x1: {  	(tag) =	ssettag $0x0;
	lr =	simm.s32 $0x1  }
0x2: {  	[smem:$0x3F9F] =	sst lr;
	_ =	strace $0xD0000000  }
0x3: {  	_ = 	snop  }
0x4: {  	_ = 	snop  }
0x5: {  	_ = 	snop  }
0x6: {  	_ = 	snop  }
0x7: {  	_ = 	snop  }
__scs_overlays_trampoline_lowered:
0x8: {  	[smem:$0x3FAE] =	sst s0  }
0x9: {  	[smem:$0x3FAF] =	sst s1  }
0xa: {  	[smem:$0x3FB0] =	sst s2  }
0xb: {  	[smem:$0x3FB1] =	sst s3  }
0xc: {  	[smem:$0x3FB2] =	sst s4  }
0xd: {  	[smem:$0x3FB3] =	sst s5  }
0xe: {  	[smem:$0x3FB4] =	sst s6  }
0xf: {  	[smem:$0x3FB5] =	sst s7  }
0x10: {  	[smem:$0x3FB6] =	sst s8  }
0x11: {  	[smem:$0x3FB7] =	sst s9;
	s0 =	simm.s32 @!p0 $0x0  }
0x12: {  	s1 =	sld [smem:$0x3F9D];
	s0 =	simm.s32 @p0 $0x1  }
0x13: {  	[smem:$0x3FB8] =	sst s0;
	s0 =	simm.s32 @!p1 $0x0  }
0x14: {  	s2 =	sld [smem:$0x3F9C];
	s0 =	simm.s32 @p1 $0x1  }
0x15: {  	[smem:$0x3FB9] =	sst s0;
	s0 =	simm.s32 @!p2 $0x0  }
0x16: {  	s3 =	sld [smem:$0x3FDB];
	s0 =	simm.s32 @p2 $0x1  }
0x17: {  	s4 =	simm.s32 $0x1BF5;
	[smem:$0x3FBB] =	sst s0  }
0x18: {  	s0 =	sld [smem:$0x3F9E];
	_ =	swait.ge [sflag:s4], $0x0  }
0x19: {  	s7 =	sld [smem:$0x3F9F]  }
0x1a: {  	s8 =	sadd.s32 $0xFFFFE003, lr  }
0x1b: {  	s9 =	sadd.s32 $0xFFFFFEF7, lr;
	s5 =	simm.s32 $0xFFFFFFFF;
	p2 =	slt.u32 s8, $0xFFFFF086  }
0x1c: {  	p1 =	slt.u32 s9, $0xF7A;
	s5 =	simm.s32 @!p2 $0x0  }
0x1d: {  	s5 =	simm.s32 @p1 $0x1;
	p0 =	seq.s32 s7, s2  }
0x1e: {  	s7 =	smul.u32 @!p0 $0xF7A, s2;
	p2 =	seq.s32 @!p0 s5, $0x0  }
0x1f: {  	s9 =	smul.u32 $0xF7A, s1;
	s8 =	simm.s32 @!p0 $0x1BF5;
	p2 =	por !p2, p0  }
0x20: {  	[sflag:s8] =	ssyncset.s32 @!p0 $0xFFFFF086;
	s6 =	sadd.s32 @!p0 s3, s7;
	s7 =	simm.s32 @!p0 $0x108  }
0x21: {  	s3 =	sadd.s32 s3, s9;
	s6 =	sadd.s32 @!p0 $0x88, s6;
	s7 =	simm.s32 @p2 $0x1082  }
0x22: {  	[simem:s7], [sflag:s8] =	dma.local @!p0 [hbm:s6], $0xF7A  }
0x23: {  	s9 =	sor.u32 $0xD0000000, s2;
	s6 =	simm.s32 $0x108;
	_ =	swait.ge @!p0 [sflag:s8], $0x0  }
0x24: {  	s3 =	sadd.s32 $0x88, s3;
	s6 =	simm.s32 @!p1 $0x1082;
	[sflag:s4] =	ssyncset.s32 $0xFFFFF086  }
0x25: {  	[simem:s6], [sflag:s4] =	dma.local [hbm:s3], $0xF7A  }
0x26: {  	[smem:$0x3F9F] =	sst s1;
	(tag) =	ssettag s2;
	_ =	strace s9  }
0x27: {  	s1 =	sld [smem:$0x3FAF]  }
0x28: {  	s2 =	sld [smem:$0x3FB0]  }
0x29: {  	s4 =	sld [smem:$0x3FB2]  }
0x2a: {  	p0 =	seq.s32 s5, $0x0;
	s5 =	sld [smem:$0x3FB3]  }
0x2b: {  	s6 =	sld [smem:$0x3FB4]  }
0x2c: {  	s7 =	sld [smem:$0x3FB5]  }
0x2d: {  	s3 =	simm.s32 $0x108;
	s8 =	sld [smem:$0x3FB6]  }
0x2e: {  	s3 =	simm.s32 @!p0 $0x1082;
	s9 =	sld [smem:$0x3FB7]  }
0x2f: {  	lr =	sadd.s32 s0, s3;
	s0 =	sld [smem:$0x3FAE]  }
0x30: {  	s3 =	sld [smem:$0x3FB1]  }
0x31: {  	[smem:$0x3FBA] =	sst s10  }
0x32: {  	s10 =	sld [smem:$0x3FB8];
	_ =	sdelay $0x3  }
0x33: {  	p0 =	seq.s32 s10, $0x1;
	s10 =	sld [smem:$0x3FBA];
	_ =	sdelay $0x3  }
0x34: {  	[smem:$0x3FBA] =	sst s10  }
0x35: {  	s10 =	sld [smem:$0x3FB9];
	_ =	sdelay $0x3  }
0x36: {  	p1 =	seq.s32 s10, $0x1;
	s10 =	sld [smem:$0x3FBA];
	_ =	sdelay $0x3  }
0x37: {  	[smem:$0x3FBA] =	sst s10  }
0x38: {  	s10 =	sld [smem:$0x3FBB]  }
0x39: {  	_ = 	snop;
	(pc) =	sbr.ind lr, $3  }
0x3a: {  	_ = 	snop  }
0x3b: {  	_ = 	snop  }
0x3c: {  	p2 =	seq.s32 s10, $0x1;
	s10 =	sld [smem:$0x3FBA]  }
0x3d: {  	_ =	shalt  }
0x3e: {  	_ =	shalt  }
0x3f: {  	_ =	shalt  }
0x40: {  	_ =	shalt  }
0x41: {  	_ =	shalt  }
0x42: {  	_ =	shalt  }
0x43: {  	_ =	shalt  }
0x44: {  	_ =	shalt  }
0x45: {  	_ =	shalt  }
0x46: {  	_ =	shalt  }
0x47: {  	_ =	shalt  }
0x48: {  	_ =	shalt  }
0x49: {  	_ =	shalt  }
0x4a: {  	_ =	shalt  }
0x4b: {  	_ =	shalt  }
0x4c: {  	_ =	shalt  }
0x4d: {  	_ =	shalt  }
0x4e: {  	_ =	shalt  }
0x4f: {  	_ =	shalt  }
0x50: {  	_ =	shalt  }
0x51: {  	_ =	shalt  }
0x52: {  	_ =	shalt  }
0x53: {  	_ =	shalt  }
0x54: {  	_ =	shalt  }
0x55: {  	_ =	shalt  }
0x56: {  	_ =	shalt  }
0x57: {  	_ =	shalt  }
0x58: {  	_ =	shalt  }
0x59: {  	_ =	shalt  }
0x5a: {  	_ =	shalt  }
0x5b: {  	_ =	shalt  }
0x5c: {  	_ =	shalt  }
0x5d: {  	_ =	shalt  }
0x5e: {  	_ =	shalt  }
0x5f: {  	_ =	shalt  }
0x60: {  	_ =	shalt  }
0x61: {  	_ =	shalt  }
0x62: {  	_ =	shalt  }
0x63: {  	_ =	shalt  }
0x64: {  	_ =	shalt  }
0x65: {  	_ =	shalt  }
0x66: {  	_ =	shalt  }
0x67: {  	_ =	shalt  }
0x68: {  	_ =	shalt  }
0x69: {  	_ =	shalt  }
0x6a: {  	_ =	shalt  }
0x6b: {  	_ =	shalt  }
0x6c: {  	_ =	shalt  }
0x6d: {  	_ =	shalt  }
0x6e: {  	_ =	shalt  }
0x6f: {  	_ =	shalt  }
0x70: {  	_ =	shalt  }
0x71: {  	_ =	shalt  }
0x72: {  	_ =	shalt  }
0x73: {  	_ =	shalt  }
0x74: {  	_ =	shalt  }
0x75: {  	_ =	shalt  }
0x76: {  	_ =	shalt  }
0x77: {  	_ =	shalt  }
0x78: {  	_ =	shalt  }
0x79: {  	_ =	shalt  }
0x7a: {  	_ =	shalt  }
0x7b: {  	_ =	shalt  }
0x7c: {  	_ =	shalt  }
0x7d: {  	_ =	shalt  }
0x7e: {  	_ =	shalt  }
0x7f: {  	_ =	shalt  }
0x80: {  	_ =	shalt  }
0x81: {  	_ =	shalt  }
0x82: {  	_ =	shalt  }
0x83: {  	_ =	shalt  }
0x84: {  	_ =	shalt  }
0x85: {  	_ =	shalt  }
0x86: {  	_ =	shalt  }
0x87: {  	_ =	shalt  }
.Lfunc_end0:
.L_simem_size_0:
called_computation_lowered:
.L_overlay_start_0:
0x88: {  	s2 =	sld [smem:$0x3FD9]  }
0x89: {  	s3 =	sld [smem:$0x3FFE];
	_ =	sdelay $0x1  }
0x8a: {  	s1 =	srdreg.scid  }
0x8b: {  	s0 =	sand.u32 $0x1, s1  }
0x8c: {  	s14 =	sshll.u32 s0, $0xA;
	s2 =	sadd.s32 s3, s2  }
0x8d: {  	s2 =	sadd.s32 s2, s14  }
0x8e: {  	[smem:$0x3FC6] =	sst s2  }
0x8f: {  	_ = 	snop  }
0x90: {  	s2 =	sld [smem:$0x3FD0];
	_ =	sdelay $0x2  }
0x91: {  	s15 =	simm.s32 $0xA;
	s4 =	simm.s32 $0x10  }
0x92: {  	[smem:s4], [sflag:s15] =	dma.local [hbm:s2], $0x1  }
0x93: {  	_ =	swait.eq [sflag:s15], $0x1  }
0x94: {  	[sflag:s15] =	ssyncset.done $0x0  }
0x95: {  	s16 =	sld [smem:$0x10];
	[sflag:s15] =	ssyncadd.s32 $0xFFFFFFFF  }
0x96: {  	s17 =	sld [smem:$0x11];
	(tm) =	ssettm $0x1  }
0x97: {  	s18 =	sld [smem:$0x3FFB];
	_ =	sdelay $0x3  }
0x98: {  	_ =	strace s18  }
0x99: {  	s4 =	sld [smem:$0x3FFC];
	_ =	sdelay $0x3  }
0x9a: {  	_ =	strace s4  }
0x9b: {  	s4 =	sld [smem:$0x3FFD];
	_ =	sdelay $0x3  }
0x9c: {  	_ =	strace s4  }
0x9d: {  	_ =	strace $0x8FFFFFFF  }
0x9e: {  	s19 =	sld [smem:$0x3FDB];
	_ =	sdelay $0x1  }
0x9f: {  	s5 =	simm.s32 $_scs_section_size  }
0xa0: {  	s6 =	simm.s32 $_size__tile_overlayer_lowered;
	s7 =	simm.s32 $_tile_overlayer_lowered  }
0xa1: {  	s22 =	simm.s32 $0x1BFF;
	s21 =	sshll.u32 s7, $0x1;
	s4 =	sadd.s32 s5, s19  }
0xa2: {  	s8 =	simm.s32 $0x0;
	s20 =	sshll.u32 s6, $0x1;
	s6 =	sadd.s32 s21, s4  }
0xa3: {  	[timem:s8], [sflag:s22] =	dma.local [hbm:s6], s20  }
0xa4: {  	_ =	swait.ge [sflag:s22], s20  }
0xa5: {  	s5 =	ssub.s32 $0x0, s20;
	[sflag:s22] =	ssyncset.done $0x0  }
0xa6: {  	[sflag:s22] =	ssyncadd.s32 s5;
	_ =	sdelay $0x1  }
0xa7: {  	s23 =	simm.s32 $0x1B8B  }
0xa8: {  	_ =	swait.ge [sflag:s23], $0x1  }
0xa9: {  	[sflag:s23] =	ssyncset.done $0x0  }
0xaa: {  	s25 =	simm.s32 $0x1B8E;
	s24 =	sld [smem:$0x3FFE];
	[sflag:s23] =	ssyncadd.s32 $0xFFFFFFFF  }
0xab: {  	s26 =	simm.s32 $execute0_lowered;
	[smem:$0x3FD2] =	sst s25  }
0xac: {  	s6 =	sshll.u32 s26, $0x1;
	_ =	strace $0x80000046;
	[dreg:$0x1] =	wrdreg $0xFFFFFFFF  }
0xad: {  	s28 =	simm.s32 $_size_execute0_lowered;
	s4 =	sadd.s32 s4, s6;
	[dreg:$0x0] =	wrdreg $0x0  }
0xae: {  	s6 =	sshll.u32 s28, $0x1;
	[dreg:$0x2] =	wrdreg s4  }
0xaf: {  	[dreg:$0x3] =	wrdreg s6  }
0xb0: {  	[dreg:$0x4] =	wrdreg $0xC0  }
0xb1: {  	_ =	task [dreg:s8], $0x5FFFF  }
0xb2: {  	[dreg:$0x1] =	wrdreg $0xFFFFFFFF  }
0xb3: {  	[dreg:$0x0] =	wrdreg $0x60  }
0xb4: {  	[dreg:$0x2] =	wrdreg s24  }
0xb5: {  	[dreg:$0x3] =	wrdreg s16  }
0xb6: {  	[dreg:$0x4] =	wrdreg s17  }
0xb7: {  	[dreg:$0x5] =	wrdreg $0x9  }
0xb8: {  	_ =	task.clear_ibuf [dreg:s8], $0x6FFFF;
	_ =	strace $0x90000046  }
0xb9: {  	s29 =	simm.s32 $0x9;
	_ =	strace $0x80000048  }
0xba: {  	_ =	swait.ge [sflag:s29], $0x1  }
0xbb: {  	[sflag:s29] =	ssyncadd.s32 $0xFFFFFFFF  }
0xbc: {  	_ =	strace $0x90000048  }
0xbd: {  	_ =	sfence  }
0xbe: {  	s30 =	sld [smem:$0x0];
	_ =	sdelay $0x2  }
0xbf: {  	s31 =	sshll.u32 s1, $0xD;
	s1 =	sshrl.u32 s1, $0x2  }
0xc0: {  	s3 =	sand.u32 $0x4000, s31;
	s1 =	sadd.s32 s1, s30  }
0xc1: {  	s0 =	sor.u32 s3, s0;
	s1 =	sshll.u32 s1, $0x11  }
0xc2: {  	s0 =	sor.u32 s1, s0  }
0xc3: {  	s0 =	sadd.s32 $0x8F2B, s0  }
0xc4: {  	[sflag:s0] =	ssyncadd.remote.s32 $0x1  }
0xc5: {  	_ =	sfence.sel $0xFFFF  }
0xc6: {  	[dreg:$0x0] =	wrdreg $0xFFFFFFFF;
	(pc) =	sbr.abs _section_cstart, $3  }
0xc7: {  	[dreg:$0x1] =	wrdreg $0xFFFFFFFF  }
0xc8: {  	_ =	task.clear_ibuf [dreg:s8], $0x2FFFF;
	_ =	strace $0x9FFFFFFF  }
0xc9: {  	(tm) =	ssettm $0x7FFFFFFF  }
tec
execute0_lowered:
.L_overlay_start_1:
0x0: {  	(tag) =	ssettag $0x1  }
0x1: {  	s3 =	rddreg [dreg:$0x0]  }
0x2: {  	s4 =	rddreg [dreg:$0x1];
	s0 =	srdreg.scid  }
0x3: {  	s5 =	rddreg [dreg:$0x2];
	s1 =	stileid.u32;
	s2 =	simm.s32 $0x0  }
0x4: {  	s9 =	simm.s32 $0x1;
	s10 =	simm.s32 $0x10000;
	s11 =	simm.s32 $0x12000  }
0x5: {  	s12 =	simm.s32 $0x0;
	s6 =	sand.u32 $0x1, s0;
	s0 =	rddreg [dreg:$0x3]  }
0x6: {  	s7 =	sshll.u32 s1, $0xB;
	[smem:$0x7FF] =	sst s2;
	s8 =	sshll.u32 s6, $0xA  }
0x7: {  	s6 =	ssub.s32 $0x2, s6;
	_ =	strace $0x80000047;
	s7 =	sor.u32 s8, s7  }
0x8: {  	s31 =	sshrl.u32 s6, $0x1;
	s8 =	simm.s32 $0x40000;
	s3 =	sadd.s32 s7, s3  }
0x9: {  	s6 =	ssub.s32 s6, s31;
	s4 =	sadd.s32 s4, s7;
	s5 =	sadd.s32 s5, s7  }
0xa: {  	s7 =	simm.s32 $0x2000;
	s3 =	sadd.s32 $0xA00, s3;
	s6 =	smax.u32 s6, $0x1  }
.LBB2_1:
0xb: {  	[tilespmem:s2], [sflag:$0x1] =	stream.strided.gather [hbm4b:s3+s7], $0x10000, s8, s7, $0x38;
	[tilespmem:$0x14000] =	vst v63  }
0xc: {  	_ =	swait.ge [sflag:s9], $0x10000  }
0xd: {  	[sflag:s9] =	ssyncset.done $0x0  }
0xe: {  	s13 =	simm.s32 $0x0;
	s14 =	simm.s32 $0x0;
	[sflag:s9] =	ssyncadd.s32 $0xFFFF0000  }
.LBB2_2:
0xf: {  	s15 =	sand.u32 $0x70, s14;
	s16 =	sand.u32 $0x1C00, s13  }
0x10: {  	s15 =	sor.u32 s15, s16  }
0x11: {  	v0 =	vld [tilespmem:s15+$0x0]  }
0x12: {  	v1 =	vld [tilespmem:s15+$0x80];
	_ =	sdelay $0x1  }
0x13: {  	v2 =	vld [tilespmem:s15+$0x100];
	_ =	sdelay $0x1  }
0x14: {  	v3 =	vld [tilespmem:s15+$0x180]  }
0x15: {  	vm0 =	vlt.s32 v0, v1  }
0x16: {  	v4 =	vsel vm0, v1, v0  }
0x17: {  	v5 =	vld [tilespmem:s15+$0x200];
	vm1 =	vlt.s32 v4, v2  }
0x18: {  	v0 =	vsel vm0, v0, v1;
	v53 =	vsel vm1, v2, v4;
	v2 =	vsel vm1, v4, v2  }
0x19: {  	v54 =	vld [tilespmem:s15+$0x280];
	vm0 =	vlt.s32 v0, v2;
	vm4 =	vlt.s32 v53, v3  }
0x1a: {  	v4 =	vsel vm0, v2, v0;
	v1 =	vsel vm4, v53, v3  }
0x1b: {  	v6 =	vsel vm4, v3, v53;
	v0 =	vsel vm0, v0, v2;
	vm5 =	vlt.s32 v4, v1  }
0x1c: {  	v8 =	vld [tilespmem:s15+$0x300];
	vm6 =	vlt.s32 v6, v5;
	v55 =	vsel vm5, v1, v4;
	v1 =	vsel vm5, v4, v1  }
0x1d: {  	s31 =	sor.u32 s13, s14;
	v56 =	vsel vm6, v6, v5;
	v5 =	vsel vm6, v5, v6;
	vm0 =	vlt.s32 v0, v1  }
0x1e: {  	s16 =	sor.u32 $0x380, s31;
	vm2 =	vlt.s32 v55, v56;
	vm1 =	vlt.s32 v5, v54;
	v7 =	vsel vm0, v1, v0  }
0x1f: {  	v63 =	vld [tilespmem:s16+$0x0];
	v57 =	vsel vm2, v55, v56;
	v0 =	vsel vm0, v0, v1;
	v58 =	vsel vm2, v56, v55  }
0x20: {  	v60 =	vsel vm1, v5, v54;
	v3 =	vsel vm1, v54, v5;
	vm7 =	vlt.s32 v7, v57  }
0x21: {  	vm2 =	vlt.s32 v58, v60;
	vm1 =	vlt.s32 v3, v8;
	v59 =	vsel vm7, v7, v57  }
0x22: {  	v6 =	vsel vm7, v57, v7;
	v62 =	vsel vm2, v58, v60;
	v1 =	vsel vm2, v60, v58  }
0x23: {  	v11 =	vld [tilespmem:s15+$0x2000];
	v9 =	vsel vm1, v3, v8;
	v3 =	vsel vm1, v8, v3;
	vm8 =	vlt.s32 v0, v59  }
0x24: {  	vm9 =	vlt.s32 v6, v62;
	vm2 =	vlt.s32 v1, v9;
	vm3 =	vlt.s32 v3, v63  }
0x25: {  	v61 =	vsel vm8, v59, v0;
	v0 =	vsel vm8, v0, v59;
	v12 =	vsel vm9, v6, v62  }
0x26: {  	v5 =	vsel vm9, v62, v6;
	v14 =	vsel vm2, v1, v9;
	v1 =	vsel vm2, v9, v1  }
0x27: {  	v16 =	vsel vm3, v3, v63;
	v2 =	vsel vm3, v63, v3;
	vm10 =	vlt.s32 v61, v12  }
0x28: {  	vm11 =	vlt.s32 v5, v14;
	vm13 =	vlt.s32 v1, v16;
	vm8 =	vlt.s32 v2, v11  }
0x29: {  	v13 =	vsel vm10, v12, v61;
	v4 =	vsel vm10, v61, v12;
	v10 =	vsel vm11, v5, v14  }
0x2a: {  	v24 =	vld [tilespmem:s15+$0x2080];
	v5 =	vsel vm11, v14, v5;
	v18 =	vsel vm13, v1, v16;
	v1 =	vsel vm13, v16, v1  }
0x2b: {  	v22 =	vsel vm8, v2, v11;
	v2 =	vsel vm8, v11, v2;
	vm0 =	vlt.s32 v0, v4  }
0x2c: {  	vm12 =	vlt.s32 v13, v10;
	vm15 =	vlt.s32 v5, v18;
	vm10 =	vlt.s32 v1, v22  }
0x2d: {  	v15 =	vsel vm0, v4, v0;
	v0 =	vsel vm0, v0, v4;
	v17 =	vsel vm12, v13, v10  }
0x2e: {  	v32 =	vld [tilespmem:s15+$0x2100];
	v6 =	vsel vm12, v10, v13;
	v20 =	vsel vm15, v5, v18;
	v5 =	vsel vm15, v18, v5  }
0x2f: {  	v25 =	vsel vm10, v1, v22;
	vm15 =	vlt.s32 v2, v24;
	v1 =	vsel vm10, v22, v1  }
0x30: {  	vm14 =	vlt.s32 v15, v17;
	vm7 =	vlt.s32 v6, v20;
	vm12 =	vlt.s32 v5, v25  }
0x31: {  	v29 =	vsel vm15, v2, v24;
	v2 =	vsel vm15, v24, v2;
	v19 =	vsel vm14, v15, v17  }
0x32: {  	v4 =	vsel vm14, v17, v15;
	v21 =	vsel vm7, v6, v20;
	v6 =	vsel vm7, v20, v6  }
0x33: {  	v40 =	vld [tilespmem:s15+$0x2180];
	v27 =	vsel vm12, v5, v25;
	v5 =	vsel vm12, v25, v5;
	vm15 =	vlt.s32 v2, v32  }
0x34: {  	vm6 =	vlt.s32 v0, v19;
	vm9 =	vlt.s32 v4, v21;
	vm14 =	vlt.s32 v6, v27  }
0x35: {  	v37 =	vsel vm15, v2, v32;
	v2 =	vsel vm15, v32, v2;
	v12 =	vsel vm6, v19, v0  }
0x36: {  	v0 =	vsel vm6, v0, v19;
	v23 =	vsel vm9, v4, v21;
	v3 =	vsel vm9, v21, v4  }
0x37: {  	v28 =	vsel vm14, v6, v27;
	vm9 =	vlt.s32 v1, v29;
	v6 =	vsel vm14, v27, v6  }
0x38: {  	vm15 =	vlt.s32 v2, v40;
	vm11 =	vlt.s32 v12, v23;
	vm8 =	vlt.s32 v3, v28  }
0x39: {  	v31 =	vsel vm9, v1, v29;
	v1 =	vsel vm9, v29, v1;
	v45 =	vsel vm15, v2, v40  }
0x3a: {  	v2 =	vsel vm15, v40, v2;
	v26 =	vsel vm11, v12, v23;
	v7 =	vsel vm11, v23, v12  }
0x3b: {  	v30 =	vsel vm8, v3, v28;
	v3 =	vsel vm8, v28, v3;
	vm11 =	vlt.s32 v5, v31  }
0x3c: {  	vm9 =	vlt.s32 v1, v37;
	vm13 =	vlt.s32 v0, v26;
	vm10 =	vlt.s32 v7, v30  }
0x3d: {  	v46 =	vld [tilespmem:s15+$0x2200];
	v34 =	vsel vm11, v5, v31;
	v5 =	vsel vm11, v31, v5;
	v39 =	vsel vm9, v1, v37  }
0x3e: {  	v1 =	vsel vm9, v37, v1;
	v13 =	vsel vm13, v26, v0;
	v0 =	vsel vm13, v0, v26  }
0x3f: {  	v33 =	vsel vm10, v7, v30;
	v7 =	vsel vm10, v30, v7;
	vm13 =	vlt.s32 v6, v34  }
0x40: {  	vm11 =	vlt.s32 v5, v39;
	vm7 =	vlt.s32 v1, v45;
	vm12 =	vlt.s32 v13, v33  }
0x41: {  	v35 =	vsel vm13, v6, v34;
	v6 =	vsel vm13, v34, v6;
	v42 =	vsel vm11, v5, v39  }
0x42: {  	v5 =	vsel vm11, v39, v5;
	v48 =	vsel vm7, v1, v45;
	vm11 =	vlt.s32 v2, v46  }
0x43: {  	v55 =	vld [tilespmem:s15+$0x2280];
	v1 =	vsel vm7, v45, v1;
	v14 =	vsel vm12, v33, v13;
	v4 =	vsel vm12, v13, v33  }
0x44: {  	vm14 =	vlt.s32 v3, v35;
	vm13 =	vlt.s32 v6, v42;
	vm9 =	vlt.s32 v5, v48  }
0x45: {  	v52 =	vsel vm11, v2, v46;
	v2 =	vsel vm11, v46, v2;
	vm4 =	vgt.s32 v0, v4  }
0x46: {  	v36 =	vsel vm14, v3, v35;
	v3 =	vsel vm14, v35, v3;
	v43 =	vsel vm13, v6, v42  }
0x47: {  	v6 =	vsel vm13, v42, v6;
	v50 =	vsel vm9, v5, v48;
	v5 =	vsel vm9, v48, v5  }
0x48: {  	vm13 =	vlt.s32 v1, v52;
	vm11 =	vlt.s32 v2, v55;
	v0 =	vsel vm4, v0, v4  }
0x49: {  	vm8 =	vlt.s32 v7, v36;
	vm14 =	vlt.s32 v3, v43;
	v54 =	vsel vm13, v1, v52  }
0x4a: {  	v1 =	vsel vm13, v52, v1;
	v10 =	vsel vm11, v2, v55;
	v2 =	vsel vm11, v55, v2  }
0x4b: {  	v38 =	vsel vm8, v7, v36;
	v4 =	vsel vm8, v36, v7;
	v44 =	vsel vm14, v3, v43  }
0x4c: {  	v3 =	vsel vm14, v43, v3;
	vm15 =	vlt.s32 v5, v54;
	vm13 =	vlt.s32 v1, v10  }
0x4d: {  	vm10 =	vlt.s32 v14, v38;
	vm6 =	vlt.s32 v4, v44;
	v57 =	vsel vm15, v5, v54  }
0x4e: {  	v5 =	vsel vm15, v54, v5;
	v11 =	vsel vm13, v1, v10;
	v1 =	vsel vm13, v10, v1  }
0x4f: {  	v41 =	vsel vm10, v14, v38;
	v8 =	vsel vm10, v38, v14;
	v47 =	vsel vm6, v4, v44  }
0x50: {  	v4 =	vsel vm6, v44, v4;
	vm10 =	vlt.s32 v6, v50;
	vm15 =	vlt.s32 v5, v11  }
0x51: {  	vm12 =	vgt.s32 v0, v41;
	vm8 =	vlt.s32 v8, v47;
	v51 =	vsel vm10, v6, v50  }
0x52: {  	v6 =	vsel vm10, v50, v6;
	v15 =	vsel vm15, v5, v11;
	v5 =	vsel vm15, v11, v5  }
0x53: {  	v0 =	vsel vm12, v0, v41;
	v49 =	vsel vm8, v47, v8;
	v7 =	vsel vm8, v8, v47  }
0x54: {  	vm12 =	vlt.s32 v3, v51;
	vm8 =	vlt.s32 v6, v57;
	vm0 =	vgt.s32 v0, v7  }
0x55: {  	v53 =	vsel vm12, v3, v51;
	v3 =	vsel vm12, v51, v3;
	v59 =	vsel vm8, v6, v57  }
0x56: {  	v6 =	vsel vm8, v57, v6;
	v0 =	vsel vm0, v0, v7;
	vm14 =	vlt.s32 v4, v53  }
0x57: {  	vm10 =	vlt.s32 v3, v59;
	v56 =	vsel vm14, v4, v53;
	v4 =	vsel vm14, v53, v4  }
0x58: {  	v62 =	vld [tilespmem:s15+$0x2300];
	v60 =	vsel vm10, v3, v59;
	v3 =	vsel vm10, v59, v3;
	vm7 =	vlt.s32 v49, v56  }
0x59: {  	vm12 =	vlt.s32 v4, v60;
	v58 =	vsel vm7, v56, v49;
	v7 =	vsel vm7, v49, v56  }
0x5a: {  	v61 =	vsel vm12, v4, v60;
	v4 =	vsel vm12, v60, v4;
	vm7 =	vlt.s32 v6, v15  }
0x5b: {  	v19 =	vld [tilespmem:s15+$0x2380];
	vm9 =	vgt.s32 v0, v7;
	vm14 =	vlt.s32 v58, v61;
	v16 =	vsel vm7, v6, v15  }
0x5c: {  	v6 =	vsel vm7, v15, v6;
	v0 =	vsel vm9, v0, v7;
	v63 =	vsel vm14, v58, v61  }
0x5d: {  	v8 =	vsel vm14, v61, v58;
	vm8 =	vlt.s32 v3, v16;
	vm9 =	vlt.s32 v2, v62  }
0x5e: {  	vm6 =	vgt.s32 v0, v63;
	v17 =	vsel vm8, v3, v16;
	v18 =	vsel vm9, v2, v62  }
0x5f: {  	v28 =	vld [tilespmem:s15+$0x4000];
	v3 =	vsel vm8, v16, v3;
	v2 =	vsel vm9, v62, v2;
	v0 =	vsel vm6, v0, v63  }
0x60: {  	vm10 =	vlt.s32 v4, v17;
	vm11 =	vlt.s32 v1, v18;
	vm15 =	vlt.s32 v2, v19  }
0x61: {  	v20 =	vsel vm10, v4, v17;
	v21 =	vsel vm11, v1, v18;
	v4 =	vsel vm10, v17, v4  }
0x62: {  	v1 =	vsel vm11, v18, v1;
	v25 =	vsel vm15, v2, v19;
	v2 =	vsel vm15, v19, v2  }
0x63: {  	v36 =	vld [tilespmem:s15+$0x4080];
	vm12 =	vlt.s32 v8, v20;
	vm13 =	vlt.s32 v5, v21;
	vm8 =	vlt.s32 v1, v25  }
0x64: {  	vm15 =	vlt.s32 v2, v28;
	v22 =	vsel vm12, v20, v8;
	v7 =	vsel vm12, v8, v20  }
0x65: {  	v23 =	vsel vm13, v5, v21;
	v5 =	vsel vm13, v21, v5;
	v27 =	vsel vm8, v1, v25  }
0x66: {  	v1 =	vsel vm8, v25, v1;
	v34 =	vsel vm15, v2, v28;
	v2 =	vsel vm15, v28, v2  }
0x67: {  	vm0 =	vgt.s32 v0, v7;
	vm14 =	vlt.s32 v6, v23;
	vm10 =	vlt.s32 v5, v27  }
0x68: {  	vm15 =	vlt.s32 v2, v36;
	v0 =	vsel vm0, v0, v7;
	v24 =	vsel vm14, v6, v23  }
0x69: {  	v6 =	vsel vm14, v23, v6;
	v30 =	vsel vm10, v5, v27;
	v5 =	vsel vm10, v27, v5  }
0x6a: {  	v41 =	vsel vm15, v2, v36;
	v2 =	vsel vm15, v36, v2;
	vm7 =	vlt.s32 v3, v24  }
0x6b: {  	vm12 =	vlt.s32 v6, v30;
	v26 =	vsel vm7, v3, v24;
	v3 =	vsel vm7, v24, v3  }
0x6c: {  	v32 =	vsel vm12, v6, v30;
	v6 =	vsel vm12, v30, v6;
	vm9 =	vlt.s32 v4, v26  }
0x6d: {  	vm14 =	vlt.s32 v3, v32;
	v29 =	vsel vm9, v4, v26;
	v4 =	vsel vm9, v26, v4  }
0x6e: {  	v33 =	vsel vm14, v3, v32;
	vm9 =	vlt.s32 v1, v34;
	v3 =	vsel vm14, v32, v3  }
0x6f: {  	v42 =	vld [tilespmem:s15+$0x4100];
	vm11 =	vlt.s32 v22, v29;
	vm8 =	vlt.s32 v4, v33;
	v11 =	vsel vm9, v1, v34  }
0x70: {  	v1 =	vsel vm9, v34, v1;
	v31 =	vsel vm11, v29, v22;
	v7 =	vsel vm11, v22, v29  }
0x71: {  	v35 =	vsel vm8, v4, v33;
	vm11 =	vlt.s32 v5, v11;
	v4 =	vsel vm8, v33, v4  }
0x72: {  	vm7 =	vlt.s32 v1, v41;
	vm13 =	vgt.s32 v0, v7;
	vm10 =	vlt.s32 v31, v35  }
0x73: {  	v38 =	vsel vm11, v5, v11;
	v5 =	vsel vm11, v11, v5;
	v44 =	vsel vm7, v1, v41  }
0x74: {  	v51 =	vld [tilespmem:s15+$0x4180];
	vm11 =	vlt.s32 v2, v42;
	v1 =	vsel vm7, v41, v1;
	v0 =	vsel vm13, v0, v7  }
0x75: {  	v37 =	vsel vm10, v31, v35;
	v8 =	vsel vm10, v35, v31;
	vm13 =	vlt.s32 v6, v38  }
0x76: {  	vm9 =	vlt.s32 v5, v44;
	v48 =	vsel vm11, v2, v42;
	v2 =	vsel vm11, v42, v2  }
0x77: {  	vm12 =	vgt.s32 v0, v37;
	v39 =	vsel vm13, v6, v38;
	v6 =	vsel vm13, v38, v6  }
0x78: {  	v46 =	vsel vm9, v5, v44;
	v5 =	vsel vm9, v44, v5;
	vm13 =	vlt.s32 v1, v48  }
0x79: {  	vm11 =	vlt.s32 v2, v51;
	v0 =	vsel vm12, v0, v37;
	vm14 =	vlt.s32 v3, v39  }
0x7a: {  	vm10 =	vlt.s32 v6, v46;
	v50 =	vsel vm13, v1, v48;
	v1 =	vsel vm13, v48, v1  }
0x7b: {  	v57 =	vsel vm11, v2, v51;
	v2 =	vsel vm11, v51, v2;
	v40 =	vsel vm14, v3, v39  }
0x7c: {  	v3 =	vsel vm14, v39, v3;
	v47 =	vsel vm10, v6, v46;
	v6 =	vsel vm10, v46, v6  }
0x7d: {  	vm15 =	vlt.s32 v5, v50;
	vm13 =	vlt.s32 v1, v57;
	vm6 =	vlt.s32 v4, v40  }
0x7e: {  	vm12 =	vlt.s32 v3, v47;
	v53 =	vsel vm15, v5, v50;
	v5 =	vsel vm15, v50, v5  }
0x7f: {  	v11 =	vsel vm13, v1, v57;
	v1 =	vsel vm13, v57, v1;
	v43 =	vsel vm6, v4, v40  }
0x80: {  	v4 =	vsel vm6, v40, v4;
	v49 =	vsel vm12, v3, v47;
	v3 =	vsel vm12, v47, v3  }
0x81: {  	vm15 =	vlt.s32 v5, v11;
	vm8 =	vlt.s32 v8, v43;
	vm14 =	vlt.s32 v4, v49  }
0x82: {  	v61 =	vsel vm15, v5, v11;
	v5 =	vsel vm15, v11, v5;
	v45 =	vsel vm8, v43, v8  }
0x83: {  	v7 =	vsel vm8, v8, v43;
	v52 =	vsel vm14, v4, v49;
	v4 =	vsel vm14, v49, v4  }
0x84: {  	vm8 =	vlt.s32 v6, v53;
	vm0 =	vgt.s32 v0, v7;
	vm7 =	vlt.s32 v45, v52  }
0x85: {  	v59 =	vld [tilespmem:s15+$0x4200];
	v55 =	vsel vm8, v6, v53;
	v6 =	vsel vm8, v53, v6;
	v0 =	vsel vm0, v0, v7  }
0x86: {  	v54 =	vsel vm7, v52, v45;
	v7 =	vsel vm7, v45, v52;
	vm10 =	vlt.s32 v3, v55  }
0x87: {  	vm7 =	vlt.s32 v6, v61;
	vm9 =	vgt.s32 v0, v7;
	v56 =	vsel vm10, v3, v55  }
0x88: {  	v17 =	vld [tilespmem:s15+$0x4280];
	v3 =	vsel vm10, v55, v3;
	v62 =	vsel vm7, v6, v61;
	v6 =	vsel vm7, v61, v6  }
0x89: {  	v0 =	vsel vm9, v0, v7;
	vm12 =	vlt.s32 v4, v56;
	vm8 =	vlt.s32 v3, v62  }
0x8a: {  	vm9 =	vlt.s32 v2, v59;
	v58 =	vsel vm12, v4, v56;
	v4 =	vsel vm12, v56, v4  }
0x8b: {  	v63 =	vsel vm8, v3, v62;
	v16 =	vsel vm9, v2, v59;
	v3 =	vsel vm8, v62, v3  }
0x8c: {  	v26 =	vld [tilespmem:s15+$0x4300];
	v2 =	vsel vm9, v59, v2;
	vm14 =	vlt.s32 v54, v58;
	vm10 =	vlt.s32 v4, v63  }
0x8d: {  	vm11 =	vlt.s32 v1, v16;
	vm15 =	vlt.s32 v2, v17;
	v60 =	vsel vm14, v54, v58  }
0x8e: {  	v8 =	vsel vm14, v58, v54;
	v18 =	vsel vm10, v4, v63;
	v19 =	vsel vm11, v1, v16  }
0x8f: {  	v4 =	vsel vm10, v63, v4;
	v1 =	vsel vm11, v16, v1;
	v23 =	vsel vm15, v2, v17  }
0x90: {  	v2 =	vsel vm15, v17, v2;
	vm6 =	vgt.s32 v0, v60;
	vm12 =	vlt.s32 v8, v18  }
0x91: {  	v34 =	vld [tilespmem:s15+$0x4380];
	vm13 =	vlt.s32 v5, v19;
	vm8 =	vlt.s32 v1, v23;
	vm15 =	vlt.s32 v2, v26  }
0x92: {  	v0 =	vsel vm6, v0, v60;
	v20 =	vsel vm12, v18, v8;
	v7 =	vsel vm12, v8, v18  }
0x93: {  	v21 =	vsel vm13, v5, v19;
	v5 =	vsel vm13, v19, v5;
	v25 =	vsel vm8, v1, v23  }
0x94: {  	v1 =	vsel vm8, v23, v1;
	v32 =	vsel vm15, v2, v26;
	v2 =	vsel vm15, v26, v2  }
0x95: {  	vm0 =	vgt.s32 v0, v7;
	vm14 =	vlt.s32 v6, v21;
	vm10 =	vlt.s32 v5, v25  }
0x96: {  	vm15 =	vlt.s32 v2, v34;
	v0 =	vsel vm0, v0, v7;
	v22 =	vsel vm14, v6, v21  }
0x97: {  	v6 =	vsel vm14, v21, v6;
	v28 =	vsel vm10, v5, v25;
	v5 =	vsel vm10, v25, v5  }
0x98: {  	v39 =	vsel vm15, v2, v34;
	v2 =	vsel vm15, v34, v2;
	vm7 =	vlt.s32 v3, v22  }
0x99: {  	vm12 =	vlt.s32 v6, v28;
	v24 =	vsel vm7, v3, v22;
	v3 =	vsel vm7, v22, v3  }
0x9a: {  	v30 =	vsel vm12, v6, v28;
	v6 =	vsel vm12, v28, v6;
	vm9 =	vlt.s32 v4, v24  }
0x9b: {  	vm14 =	vlt.s32 v3, v30;
	v27 =	vsel vm9, v4, v24;
	v4 =	vsel vm9, v24, v4  }
0x9c: {  	v31 =	vsel vm14, v3, v30;
	vm9 =	vlt.s32 v1, v32;
	v3 =	vsel vm14, v30, v3  }
0x9d: {  	v40 =	vld [tilespmem:s15+$0x6000];
	vm11 =	vlt.s32 v20, v27;
	vm8 =	vlt.s32 v4, v31;
	v11 =	vsel vm9, v1, v32  }
0x9e: {  	v1 =	vsel vm9, v32, v1;
	v29 =	vsel vm11, v27, v20;
	v7 =	vsel vm11, v20, v27  }
0x9f: {  	v33 =	vsel vm8, v4, v31;
	vm11 =	vlt.s32 v5, v11;
	v4 =	vsel vm8, v31, v4  }
0xa0: {  	vm7 =	vlt.s32 v1, v39;
	vm13 =	vgt.s32 v0, v7;
	vm10 =	vlt.s32 v29, v33  }
0xa1: {  	v36 =	vsel vm11, v5, v11;
	v5 =	vsel vm11, v11, v5;
	v42 =	vsel vm7, v1, v39  }
0xa2: {  	v49 =	vld [tilespmem:s15+$0x6080];
	vm11 =	vlt.s32 v2, v40;
	v1 =	vsel vm7, v39, v1;
	v0 =	vsel vm13, v0, v7  }
0xa3: {  	v35 =	vsel vm10, v29, v33;
	v8 =	vsel vm10, v33, v29;
	vm13 =	vlt.s32 v6, v36  }
0xa4: {  	vm9 =	vlt.s32 v5, v42;
	v46 =	vsel vm11, v2, v40;
	v2 =	vsel vm11, v40, v2  }
0xa5: {  	vm12 =	vgt.s32 v0, v35;
	v37 =	vsel vm13, v6, v36;
	v6 =	vsel vm13, v36, v6  }
0xa6: {  	v44 =	vsel vm9, v5, v42;
	v5 =	vsel vm9, v42, v5;
	vm13 =	vlt.s32 v1, v46  }
0xa7: {  	vm11 =	vlt.s32 v2, v49;
	v0 =	vsel vm12, v0, v35;
	vm14 =	vlt.s32 v3, v37  }
0xa8: {  	vm10 =	vlt.s32 v6, v44;
	v48 =	vsel vm13, v1, v46;
	v1 =	vsel vm13, v46, v1  }
0xa9: {  	v55 =	vsel vm11, v2, v49;
	v2 =	vsel vm11, v49, v2;
	v38 =	vsel vm14, v3, v37  }
0xaa: {  	v3 =	vsel vm14, v37, v3;
	v45 =	vsel vm10, v6, v44;
	v6 =	vsel vm10, v44, v6  }
0xab: {  	vm15 =	vlt.s32 v5, v48;
	vm13 =	vlt.s32 v1, v55;
	vm6 =	vlt.s32 v4, v38  }
0xac: {  	vm12 =	vlt.s32 v3, v45;
	v51 =	vsel vm15, v5, v48;
	v5 =	vsel vm15, v48, v5  }
0xad: {  	v11 =	vsel vm13, v1, v55;
	v1 =	vsel vm13, v55, v1;
	v41 =	vsel vm6, v4, v38  }
0xae: {  	v4 =	vsel vm6, v38, v4;
	v47 =	vsel vm12, v3, v45;
	v3 =	vsel vm12, v45, v3  }
0xaf: {  	vm15 =	vlt.s32 v5, v11;
	vm8 =	vlt.s32 v8, v41;
	vm14 =	vlt.s32 v4, v47  }
0xb0: {  	v59 =	vsel vm15, v5, v11;
	v5 =	vsel vm15, v11, v5;
	v43 =	vsel vm8, v41, v8  }
0xb1: {  	v7 =	vsel vm8, v8, v41;
	v50 =	vsel vm14, v4, v47;
	v4 =	vsel vm14, v47, v4  }
0xb2: {  	vm8 =	vlt.s32 v6, v51;
	vm0 =	vgt.s32 v0, v7;
	vm7 =	vlt.s32 v43, v50  }
0xb3: {  	v57 =	vld [tilespmem:s15+$0x6100];
	v53 =	vsel vm8, v6, v51;
	v6 =	vsel vm8, v51, v6;
	v0 =	vsel vm0, v0, v7  }
0xb4: {  	v52 =	vsel vm7, v50, v43;
	v7 =	vsel vm7, v43, v50;
	vm10 =	vlt.s32 v3, v53  }
0xb5: {  	vm7 =	vlt.s32 v6, v59;
	vm9 =	vgt.s32 v0, v7;
	v54 =	vsel vm10, v3, v53  }
0xb6: {  	v63 =	vld [tilespmem:s15+$0x6180];
	v3 =	vsel vm10, v53, v3;
	v60 =	vsel vm7, v6, v59;
	v6 =	vsel vm7, v59, v6  }
0xb7: {  	v0 =	vsel vm9, v0, v7;
	vm12 =	vlt.s32 v4, v54;
	vm8 =	vlt.s32 v3, v60  }
0xb8: {  	vm9 =	vlt.s32 v2, v57;
	v56 =	vsel vm12, v4, v54;
	v4 =	vsel vm12, v54, v4  }
0xb9: {  	v61 =	vsel vm8, v3, v60;
	v62 =	vsel vm9, v2, v57;
	v3 =	vsel vm8, v60, v3  }
0xba: {  	v24 =	vld [tilespmem:s15+$0x6200];
	v2 =	vsel vm9, v57, v2;
	vm14 =	vlt.s32 v52, v56;
	vm10 =	vlt.s32 v4, v61  }
0xbb: {  	vm11 =	vlt.s32 v1, v62;
	vm15 =	vlt.s32 v2, v63;
	v58 =	vsel vm14, v52, v56  }
0xbc: {  	v8 =	vsel vm14, v56, v52;
	v16 =	vsel vm10, v4, v61;
	v17 =	vsel vm11, v1, v62  }
0xbd: {  	v4 =	vsel vm10, v61, v4;
	v1 =	vsel vm11, v62, v1;
	v21 =	vsel vm15, v2, v63  }
0xbe: {  	v2 =	vsel vm15, v63, v2;
	vm6 =	vgt.s32 v0, v58;
	vm12 =	vlt.s32 v8, v16  }
0xbf: {  	v32 =	vld [tilespmem:s15+$0x6280];
	vm13 =	vlt.s32 v5, v17;
	vm8 =	vlt.s32 v1, v21;
	vm15 =	vlt.s32 v2, v24  }
0xc0: {  	v0 =	vsel vm6, v0, v58;
	v18 =	vsel vm12, v16, v8;
	v7 =	vsel vm12, v8, v16  }
0xc1: {  	v19 =	vsel vm13, v5, v17;
	v5 =	vsel vm13, v17, v5;
	v23 =	vsel vm8, v1, v21  }
0xc2: {  	v1 =	vsel vm8, v21, v1;
	v30 =	vsel vm15, v2, v24;
	v2 =	vsel vm15, v24, v2  }
0xc3: {  	vm0 =	vgt.s32 v0, v7;
	vm14 =	vlt.s32 v6, v19;
	vm10 =	vlt.s32 v5, v23  }
0xc4: {  	vm15 =	vlt.s32 v2, v32;
	v0 =	vsel vm0, v0, v7;
	v20 =	vsel vm14, v6, v19  }
0xc5: {  	v6 =	vsel vm14, v19, v6;
	v26 =	vsel vm10, v5, v23;
	v5 =	vsel vm10, v23, v5  }
0xc6: {  	v37 =	vsel vm15, v2, v32;
	v2 =	vsel vm15, v32, v2;
	vm7 =	vlt.s32 v3, v20  }
0xc7: {  	vm12 =	vlt.s32 v6, v26;
	v22 =	vsel vm7, v3, v20;
	v3 =	vsel vm7, v20, v3  }
0xc8: {  	v28 =	vsel vm12, v6, v26;
	v6 =	vsel vm12, v26, v6;
	vm9 =	vlt.s32 v4, v22  }
0xc9: {  	vm14 =	vlt.s32 v3, v28;
	v25 =	vsel vm9, v4, v22;
	v4 =	vsel vm9, v22, v4  }
0xca: {  	v29 =	vsel vm14, v3, v28;
	vm9 =	vlt.s32 v1, v30;
	v3 =	vsel vm14, v28, v3  }
0xcb: {  	v38 =	vld [tilespmem:s15+$0x6300];
	vm11 =	vlt.s32 v18, v25;
	vm8 =	vlt.s32 v4, v29;
	v11 =	vsel vm9, v1, v30  }
0xcc: {  	v1 =	vsel vm9, v30, v1;
	v27 =	vsel vm11, v25, v18;
	v7 =	vsel vm11, v18, v25  }
0xcd: {  	v31 =	vsel vm8, v4, v29;
	vm11 =	vlt.s32 v5, v11;
	v4 =	vsel vm8, v29, v4  }
0xce: {  	vm7 =	vlt.s32 v1, v37;
	vm13 =	vgt.s32 v0, v7;
	vm10 =	vlt.s32 v27, v31  }
0xcf: {  	v34 =	vsel vm11, v5, v11;
	v5 =	vsel vm11, v11, v5;
	v40 =	vsel vm7, v1, v37  }
0xd0: {  	v47 =	vld [tilespmem:s15+$0x6380];
	vm11 =	vlt.s32 v2, v38;
	v1 =	vsel vm7, v37, v1;
	v0 =	vsel vm13, v0, v7  }
0xd1: {  	v33 =	vsel vm10, v27, v31;
	v8 =	vsel vm10, v31, v27;
	vm13 =	vlt.s32 v6, v34  }
0xd2: {  	vm9 =	vlt.s32 v5, v40;
	v44 =	vsel vm11, v2, v38;
	v2 =	vsel vm11, v38, v2  }
0xd3: {  	vm12 =	vgt.s32 v0, v33;
	v35 =	vsel vm13, v6, v34;
	v6 =	vsel vm13, v34, v6  }
0xd4: {  	v42 =	vsel vm9, v5, v40;
	v5 =	vsel vm9, v40, v5;
	vm13 =	vlt.s32 v1, v44  }
0xd5: {  	vm11 =	vlt.s32 v2, v47;
	v0 =	vsel vm12, v0, v33;
	vm14 =	vlt.s32 v3, v35  }
0xd6: {  	vm10 =	vlt.s32 v6, v42;
	v46 =	vsel vm13, v1, v44;
	v1 =	vsel vm13, v44, v1  }
0xd7: {  	v53 =	vsel vm11, v2, v47;
	v2 =	vsel vm11, v47, v2;
	v36 =	vsel vm14, v3, v35  }
0xd8: {  	v3 =	vsel vm14, v35, v3;
	v43 =	vsel vm10, v6, v42;
	v6 =	vsel vm10, v42, v6  }
0xd9: {  	vm15 =	vlt.s32 v5, v46;
	vm13 =	vlt.s32 v1, v53;
	vm6 =	vlt.s32 v4, v36  }
0xda: {  	vm12 =	vlt.s32 v3, v43;
	v49 =	vsel vm15, v5, v46;
	v5 =	vsel vm15, v46, v5  }
0xdb: {  	v11 =	vsel vm13, v1, v53;
	v1 =	vsel vm13, v53, v1;
	v39 =	vsel vm6, v4, v36  }
0xdc: {  	v4 =	vsel vm6, v36, v4;
	v45 =	vsel vm12, v3, v43;
	v3 =	vsel vm12, v43, v3  }
0xdd: {  	vm15 =	vlt.s32 v5, v11;
	vm8 =	vlt.s32 v8, v39;
	vm14 =	vlt.s32 v4, v45  }
0xde: {  	v57 =	vsel vm15, v5, v11;
	v5 =	vsel vm15, v11, v5;
	v41 =	vsel vm8, v39, v8  }
0xdf: {  	v7 =	vsel vm8, v8, v39;
	v48 =	vsel vm14, v4, v45;
	v4 =	vsel vm14, v45, v4  }
0xe0: {  	vm8 =	vlt.s32 v6, v49;
	vm0 =	vgt.s32 v0, v7;
	vm7 =	vlt.s32 v41, v48  }
0xe1: {  	v55 =	vld [tilespmem:s15+$0x8000];
	v51 =	vsel vm8, v6, v49;
	v6 =	vsel vm8, v49, v6;
	v0 =	vsel vm0, v0, v7  }
0xe2: {  	v50 =	vsel vm7, v48, v41;
	v7 =	vsel vm7, v41, v48;
	vm10 =	vlt.s32 v3, v51  }
0xe3: {  	vm7 =	vlt.s32 v6, v57;
	vm9 =	vgt.s32 v0, v7;
	v52 =	vsel vm10, v3, v51  }
0xe4: {  	v61 =	vld [tilespmem:s15+$0x8080];
	v3 =	vsel vm10, v51, v3;
	v58 =	vsel vm7, v6, v57;
	v6 =	vsel vm7, v57, v6  }
0xe5: {  	v0 =	vsel vm9, v0, v7;
	vm12 =	vlt.s32 v4, v52;
	vm8 =	vlt.s32 v3, v58  }
0xe6: {  	vm9 =	vlt.s32 v2, v55;
	v54 =	vsel vm12, v4, v52;
	v4 =	vsel vm12, v52, v4  }
0xe7: {  	v59 =	vsel vm8, v3, v58;
	v60 =	vsel vm9, v2, v55;
	v3 =	vsel vm8, v58, v3  }
0xe8: {  	v22 =	vld [tilespmem:s15+$0x8100];
	v2 =	vsel vm9, v55, v2;
	vm14 =	vlt.s32 v50, v54;
	vm10 =	vlt.s32 v4, v59  }
0xe9: {  	vm11 =	vlt.s32 v1, v60;
	vm15 =	vlt.s32 v2, v61;
	v56 =	vsel vm14, v50, v54  }
0xea: {  	v8 =	vsel vm14, v54, v50;
	v62 =	vsel vm10, v4, v59;
	v63 =	vsel vm11, v1, v60  }
0xeb: {  	v4 =	vsel vm10, v59, v4;
	v1 =	vsel vm11, v60, v1;
	v19 =	vsel vm15, v2, v61  }
0xec: {  	v2 =	vsel vm15, v61, v2;
	vm6 =	vgt.s32 v0, v56;
	vm12 =	vlt.s32 v8, v62  }
0xed: {  	v30 =	vld [tilespmem:s15+$0x8180];
	vm13 =	vlt.s32 v5, v63;
	vm8 =	vlt.s32 v1, v19;
	vm15 =	vlt.s32 v2, v22  }
0xee: {  	v0 =	vsel vm6, v0, v56;
	v16 =	vsel vm12, v62, v8;
	v7 =	vsel vm12, v8, v62  }
0xef: {  	v17 =	vsel vm13, v5, v63;
	v5 =	vsel vm13, v63, v5;
	v21 =	vsel vm8, v1, v19  }
0xf0: {  	v1 =	vsel vm8, v19, v1;
	v28 =	vsel vm15, v2, v22;
	v2 =	vsel vm15, v22, v2  }
0xf1: {  	vm0 =	vgt.s32 v0, v7;
	vm14 =	vlt.s32 v6, v17;
	vm10 =	vlt.s32 v5, v21  }
0xf2: {  	vm15 =	vlt.s32 v2, v30;
	v0 =	vsel vm0, v0, v7;
	v18 =	vsel vm14, v6, v17  }
0xf3: {  	v6 =	vsel vm14, v17, v6;
	v24 =	vsel vm10, v5, v21;
	v5 =	vsel vm10, v21, v5  }
0xf4: {  	v35 =	vsel vm15, v2, v30;
	v2 =	vsel vm15, v30, v2;
	vm7 =	vlt.s32 v3, v18  }
0xf5: {  	vm12 =	vlt.s32 v6, v24;
	v20 =	vsel vm7, v3, v18;
	v3 =	vsel vm7, v18, v3  }
0xf6: {  	v26 =	vsel vm12, v6, v24;
	v6 =	vsel vm12, v24, v6;
	vm9 =	vlt.s32 v4, v20  }
0xf7: {  	vm14 =	vlt.s32 v3, v26;
	v23 =	vsel vm9, v4, v20;
	v4 =	vsel vm9, v20, v4  }
0xf8: {  	v27 =	vsel vm14, v3, v26;
	vm9 =	vlt.s32 v1, v28;
	v3 =	vsel vm14, v26, v3  }
0xf9: {  	v36 =	vld [tilespmem:s15+$0x8200];
	vm11 =	vlt.s32 v16, v23;
	vm8 =	vlt.s32 v4, v27;
	v11 =	vsel vm9, v1, v28  }
0xfa: {  	v1 =	vsel vm9, v28, v1;
	v25 =	vsel vm11, v23, v16;
	v7 =	vsel vm11, v16, v23  }
0xfb: {  	v29 =	vsel vm8, v4, v27;
	vm11 =	vlt.s32 v5, v11;
	v4 =	vsel vm8, v27, v4  }
0xfc: {  	vm7 =	vlt.s32 v1, v35;
	vm13 =	vgt.s32 v0, v7;
	vm10 =	vlt.s32 v25, v29  }
0xfd: {  	v32 =	vsel vm11, v5, v11;
	v5 =	vsel vm11, v11, v5;
	v38 =	vsel vm7, v1, v35  }
0xfe: {  	v45 =	vld [tilespmem:s15+$0x8280];
	vm11 =	vlt.s32 v2, v36;
	v1 =	vsel vm7, v35, v1;
	v0 =	vsel vm13, v0, v7  }
0xff: {  	v31 =	vsel vm10, v25, v29;
	v8 =	vsel vm10, v29, v25;
	vm13 =	vlt.s32 v6, v32  }
0x100: {  	vm9 =	vlt.s32 v5, v38;
	v42 =	vsel vm11, v2, v36;
	v2 =	vsel vm11, v36, v2  }
0x101: {  	vm12 =	vgt.s32 v0, v31;
	v33 =	vsel vm13, v6, v32;
	v6 =	vsel vm13, v32, v6  }
0x102: {  	v40 =	vsel vm9, v5, v38;
	v5 =	vsel vm9, v38, v5;
	vm13 =	vlt.s32 v1, v42  }
0x103: {  	vm11 =	vlt.s32 v2, v45;
	v0 =	vsel vm12, v0, v31;
	vm14 =	vlt.s32 v3, v33  }
0x104: {  	vm10 =	vlt.s32 v6, v40;
	v44 =	vsel vm13, v1, v42;
	v1 =	vsel vm13, v42, v1  }
0x105: {  	v51 =	vsel vm11, v2, v45;
	v2 =	vsel vm11, v45, v2;
	v34 =	vsel vm14, v3, v33  }
0x106: {  	v3 =	vsel vm14, v33, v3;
	v41 =	vsel vm10, v6, v40;
	v6 =	vsel vm10, v40, v6  }
0x107: {  	vm15 =	vlt.s32 v5, v44;
	vm13 =	vlt.s32 v1, v51;
	vm6 =	vlt.s32 v4, v34  }
0x108: {  	vm12 =	vlt.s32 v3, v41;
	v47 =	vsel vm15, v5, v44;
	v5 =	vsel vm15, v44, v5  }
0x109: {  	v11 =	vsel vm13, v1, v51;
	v1 =	vsel vm13, v51, v1;
	v37 =	vsel vm6, v4, v34  }
0x10a: {  	v4 =	vsel vm6, v34, v4;
	v43 =	vsel vm12, v3, v41;
	v3 =	vsel vm12, v41, v3  }
0x10b: {  	vm15 =	vlt.s32 v5, v11;
	vm8 =	vlt.s32 v8, v37;
	vm14 =	vlt.s32 v4, v43  }
0x10c: {  	v55 =	vsel vm15, v5, v11;
	v5 =	vsel vm15, v11, v5;
	v39 =	vsel vm8, v37, v8  }
0x10d: {  	v7 =	vsel vm8, v8, v37;
	v46 =	vsel vm14, v4, v43;
	v4 =	vsel vm14, v43, v4  }
0x10e: {  	vm8 =	vlt.s32 v6, v47;
	vm0 =	vgt.s32 v0, v7;
	vm7 =	vlt.s32 v39, v46  }
0x10f: {  	v53 =	vld [tilespmem:s15+$0x8300];
	v49 =	vsel vm8, v6, v47;
	v6 =	vsel vm8, v47, v6;
	v0 =	vsel vm0, v0, v7  }
0x110: {  	v48 =	vsel vm7, v46, v39;
	v7 =	vsel vm7, v39, v46;
	vm10 =	vlt.s32 v3, v49  }
0x111: {  	vm7 =	vlt.s32 v6, v55;
	vm9 =	vgt.s32 v0, v7;
	v50 =	vsel vm10, v3, v49  }
0x112: {  	v59 =	vld [tilespmem:s15+$0x8380];
	v3 =	vsel vm10, v49, v3;
	v56 =	vsel vm7, v6, v55;
	v6 =	vsel vm7, v55, v6  }
0x113: {  	v0 =	vsel vm9, v0, v7;
	vm12 =	vlt.s32 v4, v50;
	vm8 =	vlt.s32 v3, v56  }
0x114: {  	vm9 =	vlt.s32 v2, v53;
	v52 =	vsel vm12, v4, v50;
	v4 =	vsel vm12, v50, v4  }
0x115: {  	v57 =	vsel vm8, v3, v56;
	v58 =	vsel vm9, v2, v53;
	v3 =	vsel vm8, v56, v3  }
0x116: {  	v20 =	vld [tilespmem:s15+$0xA000];
	v2 =	vsel vm9, v53, v2;
	vm14 =	vlt.s32 v48, v52;
	vm10 =	vlt.s32 v4, v57  }
0x117: {  	vm11 =	vlt.s32 v1, v58;
	vm15 =	vlt.s32 v2, v59;
	v54 =	vsel vm14, v48, v52  }
0x118: {  	v8 =	vsel vm14, v52, v48;
	v60 =	vsel vm10, v4, v57;
	v61 =	vsel vm11, v1, v58  }
0x119: {  	v4 =	vsel vm10, v57, v4;
	v1 =	vsel vm11, v58, v1;
	v17 =	vsel vm15, v2, v59  }
0x11a: {  	v2 =	vsel vm15, v59, v2;
	vm6 =	vgt.s32 v0, v54;
	vm12 =	vlt.s32 v8, v60  }
0x11b: {  	v28 =	vld [tilespmem:s15+$0xA080];
	vm13 =	vlt.s32 v5, v61;
	vm8 =	vlt.s32 v1, v17;
	vm15 =	vlt.s32 v2, v20  }
0x11c: {  	v0 =	vsel vm6, v0, v54;
	v62 =	vsel vm12, v60, v8;
	v7 =	vsel vm12, v8, v60  }
0x11d: {  	v63 =	vsel vm13, v5, v61;
	v5 =	vsel vm13, v61, v5;
	v19 =	vsel vm8, v1, v17  }
0x11e: {  	v1 =	vsel vm8, v17, v1;
	v26 =	vsel vm15, v2, v20;
	v2 =	vsel vm15, v20, v2  }
0x11f: {  	vm0 =	vgt.s32 v0, v7;
	vm14 =	vlt.s32 v6, v63;
	vm10 =	vlt.s32 v5, v19  }
0x120: {  	vm15 =	vlt.s32 v2, v28;
	v0 =	vsel vm0, v0, v7;
	v16 =	vsel vm14, v6, v63  }
0x121: {  	v6 =	vsel vm14, v63, v6;
	v22 =	vsel vm10, v5, v19;
	v5 =	vsel vm10, v19, v5  }
0x122: {  	v33 =	vsel vm15, v2, v28;
	v2 =	vsel vm15, v28, v2;
	vm7 =	vlt.s32 v3, v16  }
0x123: {  	vm12 =	vlt.s32 v6, v22;
	v18 =	vsel vm7, v3, v16;
	v3 =	vsel vm7, v16, v3  }
0x124: {  	v24 =	vsel vm12, v6, v22;
	v6 =	vsel vm12, v22, v6;
	vm9 =	vlt.s32 v4, v18  }
0x125: {  	vm14 =	vlt.s32 v3, v24;
	v21 =	vsel vm9, v4, v18;
	v4 =	vsel vm9, v18, v4  }
0x126: {  	v25 =	vsel vm14, v3, v24;
	vm9 =	vlt.s32 v1, v26;
	v3 =	vsel vm14, v24, v3  }
0x127: {  	v34 =	vld [tilespmem:s15+$0xA100];
	vm11 =	vlt.s32 v62, v21;
	vm8 =	vlt.s32 v4, v25;
	v11 =	vsel vm9, v1, v26  }
0x128: {  	v1 =	vsel vm9, v26, v1;
	v23 =	vsel vm11, v21, v62;
	v7 =	vsel vm11, v62, v21  }
0x129: {  	v27 =	vsel vm8, v4, v25;
	vm11 =	vlt.s32 v5, v11;
	v4 =	vsel vm8, v25, v4  }
0x12a: {  	vm7 =	vlt.s32 v1, v33;
	vm13 =	vgt.s32 v0, v7;
	vm10 =	vlt.s32 v23, v27  }
0x12b: {  	v30 =	vsel vm11, v5, v11;
	v5 =	vsel vm11, v11, v5;
	v36 =	vsel vm7, v1, v33  }
0x12c: {  	v43 =	vld [tilespmem:s15+$0xA180];
	vm11 =	vlt.s32 v2, v34;
	v1 =	vsel vm7, v33, v1;
	v0 =	vsel vm13, v0, v7  }
0x12d: {  	v29 =	vsel vm10, v23, v27;
	v8 =	vsel vm10, v27, v23;
	vm13 =	vlt.s32 v6, v30  }
0x12e: {  	vm9 =	vlt.s32 v5, v36;
	v40 =	vsel vm11, v2, v34;
	v2 =	vsel vm11, v34, v2  }
0x12f: {  	vm12 =	vgt.s32 v0, v29;
	v31 =	vsel vm13, v6, v30;
	v6 =	vsel vm13, v30, v6  }
0x130: {  	v38 =	vsel vm9, v5, v36;
	v5 =	vsel vm9, v36, v5;
	vm13 =	vlt.s32 v1, v40  }
0x131: {  	vm11 =	vlt.s32 v2, v43;
	v0 =	vsel vm12, v0, v29;
	vm14 =	vlt.s32 v3, v31  }
0x132: {  	vm10 =	vlt.s32 v6, v38;
	v42 =	vsel vm13, v1, v40;
	v1 =	vsel vm13, v40, v1  }
0x133: {  	v49 =	vsel vm11, v2, v43;
	v2 =	vsel vm11, v43, v2;
	v32 =	vsel vm14, v3, v31  }
0x134: {  	v3 =	vsel vm14, v31, v3;
	v39 =	vsel vm10, v6, v38;
	v6 =	vsel vm10, v38, v6  }
0x135: {  	vm15 =	vlt.s32 v5, v42;
	vm13 =	vlt.s32 v1, v49;
	vm6 =	vlt.s32 v4, v32  }
0x136: {  	vm12 =	vlt.s32 v3, v39;
	v45 =	vsel vm15, v5, v42;
	v5 =	vsel vm15, v42, v5  }
0x137: {  	v11 =	vsel vm13, v1, v49;
	v1 =	vsel vm13, v49, v1;
	v35 =	vsel vm6, v4, v32  }
0x138: {  	v4 =	vsel vm6, v32, v4;
	v41 =	vsel vm12, v3, v39;
	v3 =	vsel vm12, v39, v3  }
0x139: {  	vm15 =	vlt.s32 v5, v11;
	vm8 =	vlt.s32 v8, v35;
	vm14 =	vlt.s32 v4, v41  }
0x13a: {  	v53 =	vsel vm15, v5, v11;
	v5 =	vsel vm15, v11, v5;
	v37 =	vsel vm8, v35, v8  }
0x13b: {  	v7 =	vsel vm8, v8, v35;
	v44 =	vsel vm14, v4, v41;
	v4 =	vsel vm14, v41, v4  }
0x13c: {  	vm8 =	vlt.s32 v6, v45;
	vm0 =	vgt.s32 v0, v7;
	vm7 =	vlt.s32 v37, v44  }
0x13d: {  	v51 =	vld [tilespmem:s15+$0xA200];
	v47 =	vsel vm8, v6, v45;
	v6 =	vsel vm8, v45, v6;
	v0 =	vsel vm0, v0, v7  }
0x13e: {  	v46 =	vsel vm7, v44, v37;
	v7 =	vsel vm7, v37, v44;
	vm10 =	vlt.s32 v3, v47  }
0x13f: {  	vm7 =	vlt.s32 v6, v53;
	vm9 =	vgt.s32 v0, v7;
	v48 =	vsel vm10, v3, v47  }
0x140: {  	v57 =	vld [tilespmem:s15+$0xA280];
	v3 =	vsel vm10, v47, v3;
	v54 =	vsel vm7, v6, v53;
	v6 =	vsel vm7, v53, v6  }
0x141: {  	v0 =	vsel vm9, v0, v7;
	vm12 =	vlt.s32 v4, v48;
	vm8 =	vlt.s32 v3, v54  }
0x142: {  	vm9 =	vlt.s32 v2, v51;
	v50 =	vsel vm12, v4, v48;
	v4 =	vsel vm12, v48, v4  }
0x143: {  	v55 =	vsel vm8, v3, v54;
	v56 =	vsel vm9, v2, v51;
	v3 =	vsel vm8, v54, v3  }
0x144: {  	v18 =	vld [tilespmem:s15+$0xA300];
	v2 =	vsel vm9, v51, v2;
	vm14 =	vlt.s32 v46, v50;
	vm10 =	vlt.s32 v4, v55  }
0x145: {  	vm11 =	vlt.s32 v1, v56;
	vm15 =	vlt.s32 v2, v57;
	v52 =	vsel vm14, v46, v50  }
0x146: {  	v8 =	vsel vm14, v50, v46;
	v58 =	vsel vm10, v4, v55;
	v59 =	vsel vm11, v1, v56  }
0x147: {  	v4 =	vsel vm10, v55, v4;
	v1 =	vsel vm11, v56, v1;
	v63 =	vsel vm15, v2, v57  }
0x148: {  	v2 =	vsel vm15, v57, v2;
	vm6 =	vgt.s32 v0, v52;
	vm12 =	vlt.s32 v8, v58  }
0x149: {  	v26 =	vld [tilespmem:s15+$0xA380];
	vm13 =	vlt.s32 v5, v59;
	vm8 =	vlt.s32 v1, v63;
	vm15 =	vlt.s32 v2, v18  }
0x14a: {  	v0 =	vsel vm6, v0, v52;
	v60 =	vsel vm12, v58, v8;
	v7 =	vsel vm12, v8, v58  }
0x14b: {  	v61 =	vsel vm13, v5, v59;
	v5 =	vsel vm13, v59, v5;
	v17 =	vsel vm8, v1, v63  }
0x14c: {  	v1 =	vsel vm8, v63, v1;
	v24 =	vsel vm15, v2, v18;
	v2 =	vsel vm15, v18, v2  }
0x14d: {  	vm0 =	vgt.s32 v0, v7;
	vm14 =	vlt.s32 v6, v61;
	vm10 =	vlt.s32 v5, v17  }
0x14e: {  	vm15 =	vlt.s32 v2, v26;
	v0 =	vsel vm0, v0, v7;
	v62 =	vsel vm14, v6, v61  }
0x14f: {  	v6 =	vsel vm14, v61, v6;
	v20 =	vsel vm10, v5, v17;
	v5 =	vsel vm10, v17, v5  }
0x150: {  	v31 =	vsel vm15, v2, v26;
	v2 =	vsel vm15, v26, v2;
	vm7 =	vlt.s32 v3, v62  }
0x151: {  	vm12 =	vlt.s32 v6, v20;
	v16 =	vsel vm7, v3, v62;
	v3 =	vsel vm7, v62, v3  }
0x152: {  	v22 =	vsel vm12, v6, v20;
	v6 =	vsel vm12, v20, v6;
	vm9 =	vlt.s32 v4, v16  }
0x153: {  	vm14 =	vlt.s32 v3, v22;
	v19 =	vsel vm9, v4, v16;
	v4 =	vsel vm9, v16, v4  }
0x154: {  	v23 =	vsel vm14, v3, v22;
	vm9 =	vlt.s32 v1, v24;
	v3 =	vsel vm14, v22, v3  }
0x155: {  	v32 =	vld [tilespmem:s15+$0xC000];
	vm11 =	vlt.s32 v60, v19;
	vm8 =	vlt.s32 v4, v23;
	v11 =	vsel vm9, v1, v24  }
0x156: {  	v1 =	vsel vm9, v24, v1;
	v21 =	vsel vm11, v19, v60;
	v7 =	vsel vm11, v60, v19  }
0x157: {  	v25 =	vsel vm8, v4, v23;
	vm11 =	vlt.s32 v5, v11;
	v4 =	vsel vm8, v23, v4  }
0x158: {  	vm7 =	vlt.s32 v1, v31;
	vm13 =	vgt.s32 v0, v7;
	vm10 =	vlt.s32 v21, v25  }
0x159: {  	v28 =	vsel vm11, v5, v11;
	v5 =	vsel vm11, v11, v5;
	v34 =	vsel vm7, v1, v31  }
0x15a: {  	v41 =	vld [tilespmem:s15+$0xC080];
	vm11 =	vlt.s32 v2, v32;
	v1 =	vsel vm7, v31, v1;
	v0 =	vsel vm13, v0, v7  }
0x15b: {  	v27 =	vsel vm10, v21, v25;
	v8 =	vsel vm10, v25, v21;
	vm13 =	vlt.s32 v6, v28  }
0x15c: {  	vm9 =	vlt.s32 v5, v34;
	v38 =	vsel vm11, v2, v32;
	v2 =	vsel vm11, v32, v2  }
0x15d: {  	vm12 =	vgt.s32 v0, v27;
	v29 =	vsel vm13, v6, v28;
	v6 =	vsel vm13, v28, v6  }
0x15e: {  	v36 =	vsel vm9, v5, v34;
	v5 =	vsel vm9, v34, v5;
	vm13 =	vlt.s32 v1, v38  }
0x15f: {  	vm11 =	vlt.s32 v2, v41;
	v0 =	vsel vm12, v0, v27;
	vm14 =	vlt.s32 v3, v29  }
0x160: {  	vm10 =	vlt.s32 v6, v36;
	v40 =	vsel vm13, v1, v38;
	v1 =	vsel vm13, v38, v1  }
0x161: {  	v47 =	vsel vm11, v2, v41;
	v2 =	vsel vm11, v41, v2;
	v30 =	vsel vm14, v3, v29  }
0x162: {  	v3 =	vsel vm14, v29, v3;
	v37 =	vsel vm10, v6, v36;
	v6 =	vsel vm10, v36, v6  }
0x163: {  	vm15 =	vlt.s32 v5, v40;
	vm13 =	vlt.s32 v1, v47;
	vm6 =	vlt.s32 v4, v30  }
0x164: {  	vm12 =	vlt.s32 v3, v37;
	v43 =	vsel vm15, v5, v40;
	v5 =	vsel vm15, v40, v5  }
0x165: {  	v11 =	vsel vm13, v1, v47;
	v1 =	vsel vm13, v47, v1;
	v33 =	vsel vm6, v4, v30  }
0x166: {  	v4 =	vsel vm6, v30, v4;
	v39 =	vsel vm12, v3, v37;
	v3 =	vsel vm12, v37, v3  }
0x167: {  	vm15 =	vlt.s32 v5, v11;
	vm8 =	vlt.s32 v8, v33;
	vm14 =	vlt.s32 v4, v39  }
0x168: {  	v51 =	vsel vm15, v5, v11;
	v5 =	vsel vm15, v11, v5;
	v35 =	vsel vm8, v33, v8  }
0x169: {  	v7 =	vsel vm8, v8, v33;
	v42 =	vsel vm14, v4, v39;
	v4 =	vsel vm14, v39, v4  }
0x16a: {  	vm8 =	vlt.s32 v6, v43;
	vm0 =	vgt.s32 v0, v7;
	vm7 =	vlt.s32 v35, v42  }
0x16b: {  	v49 =	vld [tilespmem:s15+$0xC100];
	v45 =	vsel vm8, v6, v43;
	v6 =	vsel vm8, v43, v6;
	v0 =	vsel vm0, v0, v7  }
0x16c: {  	v44 =	vsel vm7, v42, v35;
	v7 =	vsel vm7, v35, v42;
	vm10 =	vlt.s32 v3, v45  }
0x16d: {  	vm7 =	vlt.s32 v6, v51;
	vm9 =	vgt.s32 v0, v7;
	v46 =	vsel vm10, v3, v45  }
0x16e: {  	v55 =	vld [tilespmem:s15+$0xC180];
	v3 =	vsel vm10, v45, v3;
	v52 =	vsel vm7, v6, v51;
	v6 =	vsel vm7, v51, v6  }
0x16f: {  	v0 =	vsel vm9, v0, v7;
	vm12 =	vlt.s32 v4, v46;
	vm8 =	vlt.s32 v3, v52  }
0x170: {  	vm9 =	vlt.s32 v2, v49;
	v48 =	vsel vm12, v4, v46;
	v4 =	vsel vm12, v46, v4  }
0x171: {  	v53 =	vsel vm8, v3, v52;
	v54 =	vsel vm9, v2, v49;
	v3 =	vsel vm8, v52, v3  }
0x172: {  	v16 =	vld [tilespmem:s15+$0xC200];
	v2 =	vsel vm9, v49, v2;
	vm14 =	vlt.s32 v44, v48;
	vm10 =	vlt.s32 v4, v53  }
0x173: {  	vm11 =	vlt.s32 v1, v54;
	vm15 =	vlt.s32 v2, v55;
	v50 =	vsel vm14, v44, v48  }
0x174: {  	v8 =	vsel vm14, v48, v44;
	v56 =	vsel vm10, v4, v53;
	v57 =	vsel vm11, v1, v54  }
0x175: {  	v4 =	vsel vm10, v53, v4;
	v1 =	vsel vm11, v54, v1;
	v61 =	vsel vm15, v2, v55  }
0x176: {  	v2 =	vsel vm15, v55, v2;
	vm6 =	vgt.s32 v0, v50;
	vm12 =	vlt.s32 v8, v56  }
0x177: {  	v24 =	vld [tilespmem:s15+$0xC280];
	vm13 =	vlt.s32 v5, v57;
	vm8 =	vlt.s32 v1, v61;
	vm15 =	vlt.s32 v2, v16  }
0x178: {  	v0 =	vsel vm6, v0, v50;
	v58 =	vsel vm12, v56, v8;
	v7 =	vsel vm12, v8, v56  }
0x179: {  	v59 =	vsel vm13, v5, v57;
	v5 =	vsel vm13, v57, v5;
	v63 =	vsel vm8, v1, v61  }
0x17a: {  	v1 =	vsel vm8, v61, v1;
	v22 =	vsel vm15, v2, v16;
	v2 =	vsel vm15, v16, v2  }
0x17b: {  	vm0 =	vgt.s32 v0, v7;
	vm14 =	vlt.s32 v6, v59;
	vm10 =	vlt.s32 v5, v63  }
0x17c: {  	vm15 =	vlt.s32 v2, v24;
	v0 =	vsel vm0, v0, v7;
	v60 =	vsel vm14, v6, v59  }
0x17d: {  	v6 =	vsel vm14, v59, v6;
	v18 =	vsel vm10, v5, v63;
	v5 =	vsel vm10, v63, v5  }
0x17e: {  	v29 =	vsel vm15, v2, v24;
	v2 =	vsel vm15, v24, v2;
	vm7 =	vlt.s32 v3, v60  }
0x17f: {  	vm12 =	vlt.s32 v6, v18;
	v62 =	vsel vm7, v3, v60;
	v3 =	vsel vm7, v60, v3  }
0x180: {  	v20 =	vsel vm12, v6, v18;
	v6 =	vsel vm12, v18, v6;
	vm9 =	vlt.s32 v4, v62  }
0x181: {  	vm14 =	vlt.s32 v3, v20;
	v17 =	vsel vm9, v4, v62;
	v4 =	vsel vm9, v62, v4  }
0x182: {  	v21 =	vsel vm14, v3, v20;
	vm9 =	vlt.s32 v1, v22;
	v3 =	vsel vm14, v20, v3  }
0x183: {  	v30 =	vld [tilespmem:s15+$0xC300];
	vm11 =	vlt.s32 v58, v17;
	vm8 =	vlt.s32 v4, v21;
	v11 =	vsel vm9, v1, v22  }
0x184: {  	v1 =	vsel vm9, v22, v1;
	v19 =	vsel vm11, v17, v58;
	v7 =	vsel vm11, v58, v17  }
0x185: {  	v23 =	vsel vm8, v4, v21;
	vm11 =	vlt.s32 v5, v11;
	v4 =	vsel vm8, v21, v4  }
0x186: {  	vm7 =	vlt.s32 v1, v29;
	vm13 =	vgt.s32 v0, v7;
	vm10 =	vlt.s32 v19, v23  }
0x187: {  	v26 =	vsel vm11, v5, v11;
	v5 =	vsel vm11, v11, v5;
	v32 =	vsel vm7, v1, v29  }
0x188: {  	v39 =	vld [tilespmem:s15+$0xC380];
	vm11 =	vlt.s32 v2, v30;
	v1 =	vsel vm7, v29, v1;
	v0 =	vsel vm13, v0, v7  }
0x189: {  	v25 =	vsel vm10, v19, v23;
	v8 =	vsel vm10, v23, v19;
	vm13 =	vlt.s32 v6, v26  }
0x18a: {  	vm9 =	vlt.s32 v5, v32;
	v36 =	vsel vm11, v2, v30;
	v2 =	vsel vm11, v30, v2  }
0x18b: {  	vm12 =	vgt.s32 v0, v25;
	v27 =	vsel vm13, v6, v26;
	v6 =	vsel vm13, v26, v6  }
0x18c: {  	v34 =	vsel vm9, v5, v32;
	v5 =	vsel vm9, v32, v5;
	vm13 =	vlt.s32 v1, v36  }
0x18d: {  	vm11 =	vlt.s32 v2, v39;
	v0 =	vsel vm12, v0, v25;
	vm14 =	vlt.s32 v3, v27  }
0x18e: {  	vm10 =	vlt.s32 v6, v34;
	v38 =	vsel vm13, v1, v36;
	v1 =	vsel vm13, v36, v1  }
0x18f: {  	v45 =	vsel vm11, v2, v39;
	v2 =	vsel vm11, v39, v2;
	v28 =	vsel vm14, v3, v27  }
0x190: {  	v3 =	vsel vm14, v27, v3;
	v35 =	vsel vm10, v6, v34;
	v6 =	vsel vm10, v34, v6  }
0x191: {  	vm15 =	vlt.s32 v5, v38;
	vm13 =	vlt.s32 v1, v45;
	vm6 =	vlt.s32 v4, v28  }
0x192: {  	vm12 =	vlt.s32 v3, v35;
	v41 =	vsel vm15, v5, v38;
	v5 =	vsel vm15, v38, v5  }
0x193: {  	v11 =	vsel vm13, v1, v45;
	v1 =	vsel vm13, v45, v1;
	v31 =	vsel vm6, v4, v28  }
0x194: {  	v4 =	vsel vm6, v28, v4;
	v37 =	vsel vm12, v3, v35;
	v3 =	vsel vm12, v35, v3  }
0x195: {  	vm15 =	vlt.s32 v5, v11;
	vm8 =	vlt.s32 v8, v31;
	vm14 =	vlt.s32 v4, v37  }
0x196: {  	v49 =	vsel vm15, v5, v11;
	v5 =	vsel vm15, v11, v5;
	v33 =	vsel vm8, v31, v8  }
0x197: {  	v7 =	vsel vm8, v8, v31;
	v40 =	vsel vm14, v4, v37;
	v4 =	vsel vm14, v37, v4  }
0x198: {  	vm8 =	vlt.s32 v6, v41;
	vm0 =	vgt.s32 v0, v7;
	vm7 =	vlt.s32 v33, v40  }
0x199: {  	v47 =	vld [tilespmem:s15+$0xE000];
	v43 =	vsel vm8, v6, v41;
	v6 =	vsel vm8, v41, v6;
	v0 =	vsel vm0, v0, v7  }
0x19a: {  	v42 =	vsel vm7, v40, v33;
	v7 =	vsel vm7, v33, v40;
	vm10 =	vlt.s32 v3, v43  }
0x19b: {  	vm7 =	vlt.s32 v6, v49;
	vm9 =	vgt.s32 v0, v7;
	v44 =	vsel vm10, v3, v43  }
0x19c: {  	v53 =	vld [tilespmem:s15+$0xE080];
	v3 =	vsel vm10, v43, v3;
	v50 =	vsel vm7, v6, v49;
	v6 =	vsel vm7, v49, v6  }
0x19d: {  	v0 =	vsel vm9, v0, v7;
	vm12 =	vlt.s32 v4, v44;
	vm8 =	vlt.s32 v3, v50  }
0x19e: {  	vm9 =	vlt.s32 v2, v47;
	v46 =	vsel vm12, v4, v44;
	v4 =	vsel vm12, v44, v4  }
0x19f: {  	v51 =	vsel vm8, v3, v50;
	v52 =	vsel vm9, v2, v47;
	v3 =	vsel vm8, v50, v3  }
0x1a0: {  	v62 =	vld [tilespmem:s15+$0xE100];
	v2 =	vsel vm9, v47, v2;
	vm14 =	vlt.s32 v42, v46;
	vm10 =	vlt.s32 v4, v51  }
0x1a1: {  	vm11 =	vlt.s32 v1, v52;
	vm15 =	vlt.s32 v2, v53;
	v48 =	vsel vm14, v42, v46  }
0x1a2: {  	v8 =	vsel vm14, v46, v42;
	v54 =	vsel vm10, v4, v51;
	v55 =	vsel vm11, v1, v52  }
0x1a3: {  	v4 =	vsel vm10, v51, v4;
	v1 =	vsel vm11, v52, v1;
	v59 =	vsel vm15, v2, v53  }
0x1a4: {  	v2 =	vsel vm15, v53, v2;
	vm6 =	vgt.s32 v0, v48;
	vm12 =	vlt.s32 v8, v54  }
0x1a5: {  	v22 =	vld [tilespmem:s15+$0xE180];
	vm13 =	vlt.s32 v5, v55;
	vm8 =	vlt.s32 v1, v59;
	vm15 =	vlt.s32 v2, v62  }
0x1a6: {  	v0 =	vsel vm6, v0, v48;
	v56 =	vsel vm12, v54, v8;
	v7 =	vsel vm12, v8, v54  }
0x1a7: {  	v57 =	vsel vm13, v5, v55;
	v5 =	vsel vm13, v55, v5;
	v61 =	vsel vm8, v1, v59  }
0x1a8: {  	v1 =	vsel vm8, v59, v1;
	v20 =	vsel vm15, v2, v62;
	v2 =	vsel vm15, v62, v2  }
0x1a9: {  	vm0 =	vgt.s32 v0, v7;
	vm14 =	vlt.s32 v6, v57;
	vm10 =	vlt.s32 v5, v61  }
0x1aa: {  	vm15 =	vlt.s32 v2, v22;
	v0 =	vsel vm0, v0, v7;
	v58 =	vsel vm14, v6, v57  }
0x1ab: {  	v6 =	vsel vm14, v57, v6;
	v16 =	vsel vm10, v5, v61;
	v5 =	vsel vm10, v61, v5  }
0x1ac: {  	v27 =	vsel vm15, v2, v22;
	v2 =	vsel vm15, v22, v2;
	vm7 =	vlt.s32 v3, v58  }
0x1ad: {  	vm12 =	vlt.s32 v6, v16;
	v60 =	vsel vm7, v3, v58;
	v3 =	vsel vm7, v58, v3  }
0x1ae: {  	v18 =	vsel vm12, v6, v16;
	v6 =	vsel vm12, v16, v6;
	vm9 =	vlt.s32 v4, v60  }
0x1af: {  	vm14 =	vlt.s32 v3, v18;
	v63 =	vsel vm9, v4, v60;
	v4 =	vsel vm9, v60, v4  }
0x1b0: {  	v19 =	vsel vm14, v3, v18;
	vm9 =	vlt.s32 v1, v20;
	v3 =	vsel vm14, v18, v3  }
0x1b1: {  	v28 =	vld [tilespmem:s15+$0xE200];
	vm11 =	vlt.s32 v56, v63;
	vm8 =	vlt.s32 v4, v19;
	v11 =	vsel vm9, v1, v20  }
0x1b2: {  	v1 =	vsel vm9, v20, v1;
	v17 =	vsel vm11, v63, v56;
	v7 =	vsel vm11, v56, v63  }
0x1b3: {  	v21 =	vsel vm8, v4, v19;
	vm11 =	vlt.s32 v5, v11;
	v4 =	vsel vm8, v19, v4  }
0x1b4: {  	vm7 =	vlt.s32 v1, v27;
	vm13 =	vgt.s32 v0, v7;
	vm10 =	vlt.s32 v17, v21  }
0x1b5: {  	v24 =	vsel vm11, v5, v11;
	v5 =	vsel vm11, v11, v5;
	v30 =	vsel vm7, v1, v27  }
0x1b6: {  	v37 =	vld [tilespmem:s15+$0xE280];
	vm11 =	vlt.s32 v2, v28;
	v1 =	vsel vm7, v27, v1;
	v0 =	vsel vm13, v0, v7  }
0x1b7: {  	v23 =	vsel vm10, v17, v21;
	v8 =	vsel vm10, v21, v17;
	vm13 =	vlt.s32 v6, v24  }
0x1b8: {  	vm9 =	vlt.s32 v5, v30;
	v34 =	vsel vm11, v2, v28;
	v2 =	vsel vm11, v28, v2  }
0x1b9: {  	vm12 =	vgt.s32 v0, v23;
	v25 =	vsel vm13, v6, v24;
	v6 =	vsel vm13, v24, v6  }
0x1ba: {  	v32 =	vsel vm9, v5, v30;
	v5 =	vsel vm9, v30, v5;
	vm13 =	vlt.s32 v1, v34  }
0x1bb: {  	vm11 =	vlt.s32 v2, v37;
	v0 =	vsel vm12, v0, v23;
	vm14 =	vlt.s32 v3, v25  }
0x1bc: {  	vm10 =	vlt.s32 v6, v32;
	v36 =	vsel vm13, v1, v34;
	v1 =	vsel vm13, v34, v1  }
0x1bd: {  	v43 =	vsel vm11, v2, v37;
	v2 =	vsel vm11, v37, v2;
	v26 =	vsel vm14, v3, v25  }
0x1be: {  	v3 =	vsel vm14, v25, v3;
	v33 =	vsel vm10, v6, v32;
	v6 =	vsel vm10, v32, v6  }
0x1bf: {  	vm15 =	vlt.s32 v5, v36;
	vm13 =	vlt.s32 v1, v43;
	vm6 =	vlt.s32 v4, v26  }
0x1c0: {  	vm12 =	vlt.s32 v3, v33;
	v39 =	vsel vm15, v5, v36;
	v5 =	vsel vm15, v36, v5  }
0x1c1: {  	v11 =	vsel vm13, v1, v43;
	v1 =	vsel vm13, v43, v1;
	v29 =	vsel vm6, v4, v26  }
0x1c2: {  	v4 =	vsel vm6, v26, v4;
	v35 =	vsel vm12, v3, v33;
	v3 =	vsel vm12, v33, v3  }
0x1c3: {  	vm15 =	vlt.s32 v5, v11;
	vm8 =	vlt.s32 v8, v29;
	vm14 =	vlt.s32 v4, v35  }
0x1c4: {  	v47 =	vsel vm15, v5, v11;
	v5 =	vsel vm15, v11, v5;
	v31 =	vsel vm8, v29, v8  }
0x1c5: {  	v7 =	vsel vm8, v8, v29;
	v38 =	vsel vm14, v4, v35;
	v4 =	vsel vm14, v35, v4  }
0x1c6: {  	vm8 =	vlt.s32 v6, v39;
	vm0 =	vgt.s32 v0, v7;
	vm7 =	vlt.s32 v31, v38  }
0x1c7: {  	v45 =	vld [tilespmem:s15+$0xE300];
	v41 =	vsel vm8, v6, v39;
	v6 =	vsel vm8, v39, v6;
	v0 =	vsel vm0, v0, v7  }
0x1c8: {  	v40 =	vsel vm7, v38, v31;
	v7 =	vsel vm7, v31, v38;
	vm10 =	vlt.s32 v3, v41  }
0x1c9: {  	vm7 =	vlt.s32 v6, v47;
	vm9 =	vgt.s32 v0, v7;
	v42 =	vsel vm10, v3, v41  }
0x1ca: {  	v49 =	vld [tilespmem:s15+$0xE380];
	v3 =	vsel vm10, v41, v3;
	v48 =	vsel vm7, v6, v47;
	v6 =	vsel vm7, v47, v6  }
0x1cb: {  	v0 =	vsel vm9, v0, v7;
	vm12 =	vlt.s32 v4, v42;
	vm8 =	vlt.s32 v3, v48  }
0x1cc: {  	vm9 =	vlt.s32 v2, v45;
	v44 =	vsel vm12, v4, v42;
	v4 =	vsel vm12, v42, v4  }
0x1cd: {  	v50 =	vsel vm8, v3, v48;
	v13 =	vsel vm9, v2, v45;
	v3 =	vsel vm8, v48, v3  }
0x1ce: {  	v2 =	vsel vm9, v45, v2;
	vm14 =	vlt.s32 v40, v44;
	vm10 =	vlt.s32 v4, v50  }
0x1cf: {  	vm11 =	vlt.s32 v1, v13;
	vm3 =	vlt.s32 v2, v49;
	v46 =	vsel vm14, v40, v44  }
0x1d0: {  	v8 =	vsel vm14, v44, v40;
	v51 =	vsel vm10, v50, v4;
	v52 =	vsel vm11, v1, v13  }
0x1d1: {  	v4 =	vsel vm10, v4, v50;
	v1 =	vsel vm11, v13, v1;
	v12 =	vsel vm3, v2, v49  }
0x1d2: {  	v2 =	vsel vm3, v49, v2;
	vm6 =	vgt.s32 v0, v46;
	vm12 =	vlt.s32 v5, v52  }
0x1d3: {  	vm1 =	vlt.s32 v8, v4;
	vm4 =	vlt.s32 v1, v12;
	v17 =	vshra.s32 v2, $0x1F  }
0x1d4: {  	v0 =	vsel vm6, v0, v46;
	v53 =	vsel vm12, v5, v52;
	v54 =	vsel vm1, v4, v8  }
0x1d5: {  	v5 =	vsel vm12, v52, v5;
	v56 =	vsel vm4, v1, v12;
	v4 =	vsel vm1, v8, v4  }
0x1d6: {  	v1 =	vsel vm4, v12, v1;
	v9 =	vand.u32 $0x7FFFFFFF, v17;
	vm13 =	vlt.s32 v6, v53  }
0x1d7: {  	vm15 =	vlt.s32 v5, v56;
	vm5 =	vgt.s32 v0, v4;
	v18 =	vshra.s32 v1, $0x1F  }
0x1d8: {  	v19 =	vxor.u32 v2, v9;
	v55 =	vsel vm13, v6, v53;
	v6 =	vsel vm13, v53, v6  }
0x1d9: {  	v58 =	vsel vm15, v5, v56;
	v0 =	vsel vm5, v0, v4;
	v5 =	vsel vm15, v56, v5  }
0x1da: {  	v10 =	vand.u32 $0x7FFFFFFF, v18;
	v22 =	vsub.f32 v19, v19;
	vm14 =	vlt.s32 v3, v55  }
0x1db: {  	vm6 =	vlt.s32 v6, v58;
	v20 =	vxor.u32 v1, v10;
	v21 =	vshra.s32 v5, $0x1F  }
0x1dc: {  	v57 =	vsel vm14, v3, v55;
	v3 =	vsel vm14, v55, v3;
	v59 =	vsel vm6, v6, v58  }
0x1dd: {  	v6 =	vsel vm6, v58, v6;
	v10 =	vand.u32 $0x7FFFFFFF, v21;
	v9 =	vsub.f32 v20, v19  }
0x1de: {  	v12 =	vmul.f32 $1.442695020e+00, v22;
	vm9 =	vlt.s32 v51, v57;
	vm11 =	vlt.s32 v3, v59  }
0x1df: {  	v11 =	vshra.s32 v6, $0x1F;
	v10 =	vxor.u32 v5, v10;
	v15 =	vsel vm9, v51, v57  }
0x1e0: {  	v7 =	vsel vm9, v57, v51;
	v61 =	vsel vm11, v3, v59;
	v3 =	vsel vm11, v59, v3  }
0x1e1: {  	v11 =	vand.u32 $0x7FFFFFFF, v11;
	v9 =	vmul.f32 $1.442695020e+00, v9;
	v10 =	vsub.f32 v10, v19  }
0x1e2: {  	(erf) = vpow2.f32 v12;
	vm10 =	vlt.s32 v54, v15;
	vm13 =	vlt.s32 v7, v61  }
0x1e3: {  	v11 =	vxor.u32 v6, v11;
	v23 =	vshra.s32 v3, $0x1F;
	v60 =	vsel vm10, v54, v15  }
0x1e4: {  	v13 =	vsel vm10, v15, v54;
	v62 =	vsel vm13, v7, v61;
	v7 =	vsel vm13, v61, v7  }
0x1e5: {  	(erf) = vpow2.f32 v9;
	v25 =	vmul.f32 $1.442695020e+00, v10;
	v26 =	vsub.f32 v11, v19  }
0x1e6: {  	vm12 =	vgt.s32 v0, v60;
	vm14 =	vlt.s32 v13, v62;
	v24 =	vshra.s32 v7, $0x1F  }
0x1e7: {  	v0 =	vsel vm12, v0, v60;
	v63 =	vsel vm14, v62, v13;
	v4 =	vsel vm14, v13, v62  }
0x1e8: {  	v13 =	vand.u32 $0x7FFFFFFF, v23;
	v28 =	vand.u32 $0x7FFFFFFF, v24;
	(erf) = vpow2.f32 v25  }
0x1e9: {  	v30 =	vmul.f32 $1.442695020e+00, v26;
	vm15 =	vgt.s32 v0, v4;
	v27 =	vxor.u32 v3, v13  }
0x1ea: {  	v29 =	vshra.s32 v63, $0x1F;
	v32 =	vxor.u32 v7, v28;
	v31 =	vsub.f32 v27, v19  }
0x1eb: {  	v0 =	vsel vm15, v0, v4;
	v33 =	vand.u32 $0x7FFFFFFF, v29;
	(erf) = vpow2.f32 v30  }
0x1ec: {  	v36 =	vsub.f32 v32, v19;
	v34 =	vshra.s32 v0, $0x1F;
	v35 =	vmul.f32 $1.442695020e+00, v31  }
0x1ed: {  	v37 =	vxor.u32 v63, v33;
	v38 =	vand.u32 $0x7FFFFFFF, v34  }
0x1ee: {  	v39 =	vmul.f32 $1.442695020e+00, v36;
	v40 =	vsub.f32 v37, v19;
	(erf) = vpow2.f32 v35  }
0x1ef: {  	v41 =	vxor.u32 v0, v38  }
0x1f0: {  	v42 =	vpop (erf);
	v43 =	vmul.f32 $1.442695020e+00, v40;
	v4 =	vsub.f32 v41, v19;
	(erf) = vpow2.f32 v39  }
0x1f1: {  	v44 =	vpop (erf)  }
0x1f2: {  	(erf) = vpow2.f32 v43;
	v4 =	vmul.f32 $1.442695020e+00, v4;
	v45 =	vadd.f32 v44, v42  }
0x1f3: {  	v46 =	vpop (erf)  }
0x1f4: {  	(erf) = vpow2.f32 v4;
	v47 =	vadd.f32 v46, v45  }
0x1f5: {  	v48 =	vpop (erf)  }
0x1f6: {  	v4 =	vadd.f32 v48, v47  }
0x1f7: {  	v49 =	vpop (erf)  }
0x1f8: {  	v4 =	vadd.f32 v49, v4  }
0x1f9: {  	v50 =	vpop (erf)  }
0x1fa: {  	v4 =	vadd.f32 v50, v4  }
0x1fb: {  	v51 =	vpop (erf)  }
0x1fc: {  	v4 =	vadd.f32 v51, v4  }
0x1fd: {  	v16 =	vpop (erf)  }
0x1fe: {  	v4 =	vadd.f32 v16, v4;
	_ =	sdelay $0x1  }
0x1ff: {  	(erf) = vrcp.f32 v4;
	_ =	sdelay $0x3  }
0x200: {  	v2 =	vandn.u32 $0x3F, v2  }
0x201: {  	[tilespmem:s15+$0x10000] =	vst v2;
	v1 =	vandn.u32 $0x3F, v1  }
0x202: {  	v53 =	vandn.u32 $0x3F, v5;
	[tilespmem:s15+$0x10080] =	vst v1  }
0x203: {  	[tilespmem:s15+$0x10100] =	vst v53;
	v55 =	vandn.u32 $0x3F, v6  }
0x204: {  	[tilespmem:s15+$0x10180] =	vst v55;
	v57 =	vandn.u32 $0x3F, v3  }
0x205: {  	[tilespmem:s15+$0x10200] =	vst v57;
	v59 =	vandn.u32 $0x3F, v7;
	v4 =	vpop (erf)  }
0x206: {  	[tilespmem:s15+$0x10280] =	vst v59;
	v61 =	vandn.u32 $0x3F, v63;
	v12 =	vmul.f32 v4, v42  }
0x207: {  	[tilespmem:s15+$0x10300] =	vst v61;
	v52 =	vmul.f32 v4, v44  }
0x208: {  	v54 =	vmul.f32 v4, v46;
	[tilespmem:s15+$0x12000] =	vst v12  }
0x209: {  	v56 =	vmul.f32 v4, v48;
	[tilespmem:s15+$0x12080] =	vst v52  }
0x20a: {  	v58 =	vmul.f32 v4, v49;
	[tilespmem:s15+$0x12100] =	vst v54  }
0x20b: {  	p0 =	sne.s32 s14, $0x3F0;
	v60 =	vmul.f32 v4, v50;
	[tilespmem:s15+$0x12180] =	vst v56  }
.Ltmp0:
0x20c: {  	v62 =	vmul.f32 v4, v51;
	[tilespmem:s15+$0x12200] =	vst v58;
	(pc) =	sbr.rel @p0 .LBB2_2-.Ltmp0, $4  }
0x20d: {  	[tilespmem:s15+$0x12280] =	vst v60  }
0x20e: {  	v0 =	vandn.u32 $0x3F, v0;
	v63 =	vmul.f32 v4, v16;
	[tilespmem:s15+$0x12300] =	vst v62  }
0x20f: {  	[tilespmem:s16+$0x10000] =	vst v0  }
0x210: {  	s13 =	sadd.s32 $0x80, s13;
	s14 =	sadd.s32 $0x10, s14;
	[tilespmem:s16+$0x12000] =	vst v63  }
0x211: {  	[hbm4b:s4+s2] =	stream.linear.scatter [tilespmem:s10], [sflag:$0x1], $0x2000, $0x38;
	[tilespmem:$0x14000] =	vst v63  }
0x212: {  	s12 =	sadd.s32 $0x1, s12;
	_ =	swait.ge [sflag:s9], $0x2000  }
0x213: {  	p0 =	sne.s32 s12, s6;
	[sflag:s9] =	ssyncset.done $0x0  }
.Ltmp1:
0x214: {  	[sflag:s9] =	ssyncadd.s32 $0xFFFFE000;
	(pc) =	sbr.rel @p0 .LBB2_1-.Ltmp1, $4  }
0x215: {  	[hbm4b:s5+s2] =	stream.linear.scatter [tilespmem:s11], [sflag:$0x1], $0x2000, $0x38;
	[tilespmem:$0x14000] =	vst v63  }
0x216: {  	_ =	swait.ge [sflag:s9], $0x2000  }
0x217: {  	[sflag:s9] =	ssyncset.done $0x0  }
0x218: {  	[sflag:s9] =	ssyncadd.s32 $0xFFFFE000  }
0x219: {  	_ =	sfence.sel $0x180000  }
0x21a: {  	[bflag:$0x0] =	sbarrier.arrive $0xFFFF  }
0x21b: {  	p0 =	sne.s32 s1, $0x0;
	_ =	strace $0x90000047  }
0x21c: {  	s0 =	sadd.s32 @!p0 $0x100000, s0;
	[bflag:$0x2] =	sbarrier.arrive $0xFFFF  }
0x21d: {  	[sflag:s0] =	ssyncadd.tile.s32 @!p0 $0x1;
	_ =	shalt  }
.Lfunc_end2:
_tile_overlayer_lowered:
.L_overlay_start_2:
0x21e: {  	(tag) =	ssettag $0x2  }
0x21f: {  	s0 =	rddreg [dreg:$0x0];
	s2 =	stileid.u32  }
0x220: {  	s1 =	rddreg [dreg:$0x1];
	p0 =	sne.s32 s2, $0x0  }
0x221: {  	s3 =	rddreg [dreg:$0x2];
	[bflag:$0x3] =	sbarrier.arrive $0xFFFF;
	s2 =	simm.s32 @!p0 $0x1C01  }
0x222: {  	[timem:s3], [sflag:s2] =	dma.local @!p0 [hbm:s0], s1  }
0x223: {  	s0 =	simm.s32 @!p0 $0x1  }
0x224: {  	_ =	swait.ge @!p0 [sflag:s0], s1  }
0x225: {  	s1 =	ssub.s32 @!p0 $0x0, s1;
	[sflag:s0] =	ssyncset.done @!p0 $0x0  }
0x226: {  	[sflag:s0] =	ssyncadd.s32 @!p0 s1  }
0x227: {  	[bflag:$0x3] =	sbarrier.arrive $0xFFFF  }
0x228: {  	_ =	shalt  }

</sc_bundles>
